<compile_context>
chip_gen: v7x
topology: tpu7x:2x2x1
jax: 0.10.2.dev20260603
libtpu: 0.0.44.dev20260713+nightly
codegen_flags: <defaults>
</compile_context>

<pallas_src>
import functools

import jax
import jax.numpy as jnp
from jax import lax
from jax.experimental import pallas as pl
from jax.experimental.pallas import tpu as pltpu
from jax.experimental.pallas import tpu_sc as plsc

_N = 100000
_N_OPS = 1000
_ROW = 25
_L = 16
_TILE = 128

_info = plsc.get_sparse_core_info()
_NW = _info.num_cores * _info.num_subcores

_NFULL = (_N // _TILE) * _TILE
_NTAIL = _N - _NFULL
_NT = _NFULL // _TILE
_CHT = ((_NT + _NW - 1) // _NW + 1) // 2 * 2
_CH = _CHT * _TILE
_GROUPS = _CH // _L


def _fold_kernel(op_tableT_ref, op_mlp_W_ref, op_mlp_b_ref,
                 shape_WT_ref, shape_b_ref, shape_mlp_W_ref, shape_mlp_b_ref,
                 attr_WT_ref, attr_b_ref, attr_mlp_W_ref, attr_mlp_b_ref,
                 ft_ref, wvec_ref):
    ft = jnp.dot(op_mlp_W_ref[...], op_tableT_ref[...],
                 preferred_element_type=jnp.float32)
    ft_ref[...] = ft + op_mlp_b_ref[...][0]
    smlp = shape_mlp_W_ref[...]
    w_s = jnp.sum(shape_WT_ref[...] * smlp, axis=1)
    b_s = jnp.sum(smlp[0] * shape_b_ref[...]) + shape_mlp_b_ref[...]
    amlp = attr_mlp_W_ref[...]
    w_a = jnp.sum(attr_WT_ref[...] * amlp, axis=1)
    b_a = jnp.sum(amlp[0] * attr_b_ref[...]) + attr_mlp_b_ref[...]
    wvec_ref[...] = jnp.concatenate(
        [w_s, w_a, b_s, b_a, jnp.zeros((6,), jnp.float32)]).reshape(1, 32)


_mesh = plsc.VectorSubcoreMesh(core_axis_name="c", subcore_axis_name="s")


_STAGES = ((0, 8), (8, 6), (14, 6), (20, 6))
_SBUF = max(s for _, s in _STAGES) * _TILE


def _sc_body(geo_hbm, tail_hbm, ft_hbm, wv_hbm, out_hbm, tout_hbm,
             geo_v, geo_w, out_v, tg_v, tout_v, ft_v, wv_v, sem_a, sem_b):
    wid = lax.axis_index("s") * _info.num_cores + lax.axis_index("c")
    pltpu.sync_copy(wv_hbm, wv_v)
    pltpu.sync_copy(ft_hbm, ft_v)

    probe = plsc.load_gather(ft_v, [jnp.zeros((_L,), jnp.int32)])
    zdep = jnp.minimum(jnp.abs(probe).astype(jnp.int32), 0)
    wspl = [plsc.load_gather(wv_v, [jnp.full((_L,), c, jnp.int32) + zdep])
            for c in range(26)]

    def compute(src_v, dst_v, dst_off, ngroups):
        def body(g, carry):
            sl = pl.ds(g * _L, _L)
            op_idx = src_v[0, sl].astype(jnp.int32)
            op_val = plsc.load_gather(ft_v, [op_idx])
            acc_s = wspl[24]
            for c in range(8):
                acc_s = acc_s + src_v[1 + c, sl] * wspl[c]
            acc_a = wspl[25]
            for c in range(16):
                acc_a = acc_a + src_v[9 + c, sl] * wspl[8 + c]
            osl = pl.ds(dst_off + g * _L, _L)
            dst_v[0, osl] = jnp.abs(op_val)
            dst_v[1, osl] = jnp.abs(acc_s)
            dst_v[2, osl] = jnp.abs(acc_a)
            return carry
        lax.fori_loop(0, ngroups, body, jnp.int32(0))

    base = jnp.minimum(wid * _CHT, _NT - _CHT) * _TILE
    bufs = (geo_v, geo_w)
    sems = (sem_a, sem_b)

    def stage_copy(i):
        off, sz = _STAGES[i]
        return pltpu.async_copy(
            geo_hbm.at[:, pl.ds(base + off * _TILE, sz * _TILE)],
            bufs[i % 2].at[:, pl.ds(0, sz * _TILE)], sems[i % 2])

    pending = stage_copy(0)
    for i in range(len(_STAGES)):
        cur = pending
        if i + 1 < len(_STAGES):
            pending = stage_copy(i + 1)
        cur.wait()
        off, sz = _STAGES[i]
        compute(bufs[i % 2], out_v, off * _TILE, sz * _TILE // _L)
    pltpu.sync_copy(out_v, out_hbm.at[:, pl.ds(base, _CH)])

    @pl.when(wid == _NW - 1)
    def _():
        pltpu.sync_copy(tail_hbm, tg_v)
        compute(tg_v, tout_v, 0, _TILE // _L)
        pltpu.sync_copy(tout_v, tout_hbm)


def _make_sc_embed(interpret=False):
    return pl.kernel(
        _sc_body,
        out_type=(jax.ShapeDtypeStruct((3, _NFULL), jnp.float32),
                  jax.ShapeDtypeStruct((3, _TILE), jnp.float32)),
        mesh=_mesh,
        compiler_params=pltpu.CompilerParams(needs_layout_passes=False,
                                             use_tc_tiling_on_sc=True),
        scratch_types=[
            pltpu.VMEM((_ROW, _SBUF), jnp.float32),
            pltpu.VMEM((_ROW, _SBUF), jnp.float32),
            pltpu.VMEM((3, _CH), jnp.float32),
            pltpu.VMEM((_ROW, _TILE), jnp.float32),
            pltpu.VMEM((3, _TILE), jnp.float32),
            pltpu.VMEM((_N_OPS,), jnp.float32),
            pltpu.VMEM((32,), jnp.float32),
            pltpu.SemaphoreType.DMA,
            pltpu.SemaphoreType.DMA,
        ],
        interpret=interpret,
    )


_sc_embed = _make_sc_embed()


def kernel(geo_x, op_table, shape_W, shape_b, attr_W, attr_b,
           op_mlp_W, op_mlp_b, shape_mlp_W, shape_mlp_b,
           attr_mlp_W, attr_mlp_b):
    ft, wvec = pl.pallas_call(
        _fold_kernel,
        out_shape=(jax.ShapeDtypeStruct((1, _N_OPS), jnp.float32),
                   jax.ShapeDtypeStruct((1, 32), jnp.float32)),
    )(op_table.T, op_mlp_W, op_mlp_b, shape_W.T, shape_b, shape_mlp_W,
      shape_mlp_b, attr_W.T, attr_b, attr_mlp_W, attr_mlp_b)
    geoT = geo_x.T
    tail = jnp.pad(lax.slice(geoT, (0, _NFULL), (_ROW, _N)),
                   ((0, 0), (0, _TILE - _NTAIL)))
    out_full, out_tail = _sc_embed(geoT, tail, ft.reshape(-1),
                                   wvec.reshape(-1))
    out = jnp.concatenate([out_full, out_tail[:, :_NTAIL]], axis=1)
    return out.T

# --- scband reference (transcript-rebuilt; emitter-appended) ---
"""Pipeline reference for scband-tgeo-node-embedding-65137474011386 (READ-ONLY COPY).

The authoritative reference and input builder live on the scoring server;
editing this copy changes nothing except your own understanding.
"""

import jax, jax.numpy as jnp
import numpy as np

N = 100000
N_OPS = 1000
SHAPE_SIZE = 8
ATTR_SIZE = 16
OP_E = 64
SH_E = 64
AT_E = 64
OP_OFFSET = 1
SHAPE_OFFSET = OP_OFFSET + SHAPE_SIZE
ATTR_OFFSET = SHAPE_OFFSET + ATTR_SIZE


def setup_inputs(seed: int = 0) -> dict:
    key = jax.random.key(seed)
    ks = jax.random.split(key, 14)
    ops = jax.random.randint(ks[0], (N, 1), 0, N_OPS).astype(jnp.float32)
    feats = jax.random.uniform(ks[1], (N, SHAPE_SIZE + ATTR_SIZE), dtype=jnp.float32)
    geo_x = jnp.concatenate([ops, feats], axis=1)
    op_table = jax.random.normal(ks[2], (N_OPS, OP_E), dtype=jnp.float32)
    shape_W = jax.random.normal(ks[3], (SH_E, SHAPE_SIZE), dtype=jnp.float32) / np.sqrt(SHAPE_SIZE)
    shape_b = jnp.zeros((SH_E,), dtype=jnp.float32)
    attr_W = jax.random.normal(ks[4], (AT_E, ATTR_SIZE), dtype=jnp.float32) / np.sqrt(ATTR_SIZE)
    attr_b = jnp.zeros((AT_E,), dtype=jnp.float32)
    op_mlp_W = jax.random.normal(ks[5], (1, OP_E), dtype=jnp.float32) / np.sqrt(OP_E)
    op_mlp_b = jnp.zeros((1,), dtype=jnp.float32)
    shape_mlp_W = jax.random.normal(ks[6], (1, SH_E), dtype=jnp.float32) / np.sqrt(SH_E)
    shape_mlp_b = jnp.zeros((1,), dtype=jnp.float32)
    attr_mlp_W = jax.random.normal(ks[7], (1, AT_E), dtype=jnp.float32) / np.sqrt(AT_E)
    attr_mlp_b = jnp.zeros((1,), dtype=jnp.float32)
    return {
        'geo_x': geo_x,
        'op_table': op_table,
        'shape_W': shape_W, 'shape_b': shape_b,
        'attr_W': attr_W, 'attr_b': attr_b,
        'op_mlp_W': op_mlp_W, 'op_mlp_b': op_mlp_b,
        'shape_mlp_W': shape_mlp_W, 'shape_mlp_b': shape_mlp_b,
        'attr_mlp_W': attr_mlp_W, 'attr_mlp_b': attr_mlp_b,
    }


def reference(geo_x, op_table, shape_W, shape_b, attr_W, attr_b,
              op_mlp_W, op_mlp_b, shape_mlp_W, shape_mlp_b, attr_mlp_W, attr_mlp_b):
    ops = geo_x[:, :OP_OFFSET].astype(jnp.int32)            # [N, 1]
    shapes = geo_x[:, OP_OFFSET:SHAPE_OFFSET]               # [N, 8]
    attrs = geo_x[:, SHAPE_OFFSET:ATTR_OFFSET]              # [N, 16]
    # embedding gather (SparseCore-style lookup)
    op_embedding = jnp.take(op_table, ops, axis=0)          # [N, 1, OP_E]
    op_embedding = op_embedding.reshape(op_embedding.shape[0], -1)  # [N, OP_E]
    op_out = op_embedding @ op_mlp_W.T + op_mlp_b           # [N, 1]
    shape_hidden = shapes @ shape_W.T + shape_b             # [N, SH_E]
    shape_out = shape_hidden @ shape_mlp_W.T + shape_mlp_b  # [N, 1]
    attr_hidden = attrs @ attr_W.T + attr_b                 # [N, AT_E]
    attr_out = attr_hidden @ attr_mlp_W.T + attr_mlp_b      # [N, 1]
    output = jnp.concatenate([op_out, shape_out, attr_out], axis=-1)  # [N, 3]
    return jnp.abs(output)

if __name__ == "__main__":
    import jax
    _d = setup_inputs()
    print(jax.jit(kernel)(*tuple(_d.values())))

</pallas_src>

<mosaic_0001>
#map = affine_map<(d0, d1) -> (0, 0)>
#map1 = affine_map<(d0, d1) -> (0)>
module attributes {stable_mosaic.version = 14 : i64} {
  func.func @_sc_body(%arg0: i32, %arg1: i32, %arg2: memref<25x100000xf32, #tpu.memory_space<hbm>>, %arg3: memref<25x128xf32, #tpu.memory_space<hbm>>, %arg4: memref<1000xf32, #tpu.memory_space<hbm>>, %arg5: memref<32xf32, #tpu.memory_space<hbm>>, %arg6: memref<3x99968xf32, #tpu.memory_space<hbm>>, %arg7: memref<3x128xf32, #tpu.memory_space<hbm>>, %arg8: memref<25x1024xf32, #tpu.memory_space<vmem>>, %arg9: memref<25x1024xf32, #tpu.memory_space<vmem>>, %arg10: memref<3x3328xf32, #tpu.memory_space<vmem>>, %arg11: memref<25x128xf32, #tpu.memory_space<vmem>>, %arg12: memref<3x128xf32, #tpu.memory_space<vmem>>, %arg13: memref<1000xf32, #tpu.memory_space<vmem>>, %arg14: memref<32xf32, #tpu.memory_space<vmem>>, %arg15: memref<!tpu.dma_semaphore, #tpu.memory_space<semaphore_mem>>, %arg16: memref<!tpu.dma_semaphore, #tpu.memory_space<semaphore_mem>>) attributes {dimension_semantics = [#tpu.dimension_semantics<core_parallel>, #tpu.dimension_semantics<subcore_parallel>], iteration_bounds = array<i64: 2, 16>, scalar_prefetch = 0 : i64, scratch_operands = 9 : i64, tpu.core_type = #tpu.core_type<sc_vector_subcore>, window_params = [{transform_indices = #map}, {transform_indices = #map}, {transform_indices = #map1}, {transform_indices = #map1}, {transform_indices = #map}, {transform_indices = #map}]} {
    %mul3A = arith.constant 2 : i32
    %mul3A_0 = arith.muli %arg1, %mul3A : i32
    %add3A = arith.addi %mul3A_0, %arg0 : i32
    "tpu.region"() ({
      %run_scoped3A = tpu.sem_alloc : memref<!tpu.dma_semaphore, #tpu.memory_space<semaphore_mem>>
      tpu.enqueue_dma source(%arg5 : memref<32xf32, #tpu.memory_space<hbm>>) target(%arg14 : memref<32xf32, #tpu.memory_space<vmem>>) target_semaphore(%run_scoped3A : memref<!tpu.dma_semaphore, #tpu.memory_space<semaphore_mem>>)
      tpu.wait_dma2 semaphore(%run_scoped3A : memref<!tpu.dma_semaphore, #tpu.memory_space<semaphore_mem>>) src(%arg5 : memref<32xf32, #tpu.memory_space<hbm>>) dst(%arg14 : memref<32xf32, #tpu.memory_space<vmem>>)
      tpu.yield
    }) : () -> ()
    "tpu.region"() ({
      %run_scoped3A = tpu.sem_alloc : memref<!tpu.dma_semaphore, #tpu.memory_space<semaphore_mem>>
      tpu.enqueue_dma source(%arg4 : memref<1000xf32, #tpu.memory_space<hbm>>) target(%arg13 : memref<1000xf32, #tpu.memory_space<vmem>>) target_semaphore(%run_scoped3A : memref<!tpu.dma_semaphore, #tpu.memory_space<semaphore_mem>>)
      tpu.wait_dma2 semaphore(%run_scoped3A : memref<!tpu.dma_semaphore, #tpu.memory_space<semaphore_mem>>) src(%arg4 : memref<1000xf32, #tpu.memory_space<hbm>>) dst(%arg13 : memref<1000xf32, #tpu.memory_space<vmem>>)
      tpu.yield
    }) : () -> ()
    %broadcast_in_dim3A = arith.constant 0 : i32
    %broadcast_in_dim3A_1 = vector.broadcast %broadcast_in_dim3A : i32 to vector<16xi32>
    %gather3A = tpu.vector_load_idx %arg13[%broadcast_in_dim3A_1] : memref<1000xf32, #tpu.memory_space<vmem>>[vector<16xi32>], vector<16xf32>,
    %abs3A = math.absf %gather3A : vector<16xf32>
    %convert_element_type3A = arith.fptosi %abs3A : vector<16xf32> to vector<16xi32>
    %min3A = arith.constant 0 : i32
    %min3A_2 = vector.broadcast %min3A : i32 to vector<16xi32>
    %min3A_3 = arith.minsi %convert_element_type3A, %min3A_2 : vector<16xi32>
    %broadcast_in_dim3A_4 = arith.constant 0 : i32
    %broadcast_in_dim3A_5 = vector.broadcast %broadcast_in_dim3A_4 : i32 to vector<16xi32>
    %add3A_6 = arith.addi %broadcast_in_dim3A_5, %min3A_3 : vector<16xi32>
    %gather3A_7 = tpu.vector_load_idx %arg14[%add3A_6] : memref<32xf32, #tpu.memory_space<vmem>>[vector<16xi32>], vector<16xf32>,
    %broadcast_in_dim3A_8 = arith.constant 1 : i32
    %broadcast_in_dim3A_9 = vector.broadcast %broadcast_in_dim3A_8 : i32 to vector<16xi32>
    %add3A_10 = arith.addi %broadcast_in_dim3A_9, %min3A_3 : vector<16xi32>
    %gather3A_11 = tpu.vector_load_idx %arg14[%add3A_10] : memref<32xf32, #tpu.memory_space<vmem>>[vector<16xi32>], vector<16xf32>,
    %broadcast_in_dim3A_12 = arith.constant 2 : i32
    %broadcast_in_dim3A_13 = vector.broadcast %broadcast_in_dim3A_12 : i32 to vector<16xi32>
    %add3A_14 = arith.addi %broadcast_in_dim3A_13, %min3A_3 : vector<16xi32>
    %gather3A_15 = tpu.vector_load_idx %arg14[%add3A_14] : memref<32xf32, #tpu.memory_space<vmem>>[vector<16xi32>], vector<16xf32>,
    %broadcast_in_dim3A_16 = arith.constant 3 : i32
    %broadcast_in_dim3A_17 = vector.broadcast %broadcast_in_dim3A_16 : i32 to vector<16xi32>
    %add3A_18 = arith.addi %broadcast_in_dim3A_17, %min3A_3 : vector<16xi32>
    %gather3A_19 = tpu.vector_load_idx %arg14[%add3A_18] : memref<32xf32, #tpu.memory_space<vmem>>[vector<16xi32>], vector<16xf32>,
    %broadcast_in_dim3A_20 = arith.constant 4 : i32
    %broadcast_in_dim3A_21 = vector.broadcast %broadcast_in_dim3A_20 : i32 to vector<16xi32>
    %add3A_22 = arith.addi %broadcast_in_dim3A_21, %min3A_3 : vector<16xi32>
    %gather3A_23 = tpu.vector_load_idx %arg14[%add3A_22] : memref<32xf32, #tpu.memory_space<vmem>>[vector<16xi32>], vector<16xf32>,
    %broadcast_in_dim3A_24 = arith.constant 5 : i32
    %broadcast_in_dim3A_25 = vector.broadcast %broadcast_in_dim3A_24 : i32 to vector<16xi32>
    %add3A_26 = arith.addi %broadcast_in_dim3A_25, %min3A_3 : vector<16xi32>
    %gather3A_27 = tpu.vector_load_idx %arg14[%add3A_26] : memref<32xf32, #tpu.memory_space<vmem>>[vector<16xi32>], vector<16xf32>,
    %broadcast_in_dim3A_28 = arith.constant 6 : i32
    %broadcast_in_dim3A_29 = vector.broadcast %broadcast_in_dim3A_28 : i32 to vector<16xi32>
    %add3A_30 = arith.addi %broadcast_in_dim3A_29, %min3A_3 : vector<16xi32>
    %gather3A_31 = tpu.vector_load_idx %arg14[%add3A_30] : memref<32xf32, #tpu.memory_space<vmem>>[vector<16xi32>], vector<16xf32>,
    %broadcast_in_dim3A_32 = arith.constant 7 : i32
    %broadcast_in_dim3A_33 = vector.broadcast %broadcast_in_dim3A_32 : i32 to vector<16xi32>
    %add3A_34 = arith.addi %broadcast_in_dim3A_33, %min3A_3 : vector<16xi32>
    %gather3A_35 = tpu.vector_load_idx %arg14[%add3A_34] : memref<32xf32, #tpu.memory_space<vmem>>[vector<16xi32>], vector<16xf32>,
    %broadcast_in_dim3A_36 = arith.constant 8 : i32
    %broadcast_in_dim3A_37 = vector.broadcast %broadcast_in_dim3A_36 : i32 to vector<16xi32>
    %add3A_38 = arith.addi %broadcast_in_dim3A_37, %min3A_3 : vector<16xi32>
    %gather3A_39 = tpu.vector_load_idx %arg14[%add3A_38] : memref<32xf32, #tpu.memory_space<vmem>>[vector<16xi32>], vector<16xf32>,
    %broadcast_in_dim3A_40 = arith.constant 9 : i32
    %broadcast_in_dim3A_41 = vector.broadcast %broadcast_in_dim3A_40 : i32 to vector<16xi32>
    %add3A_42 = arith.addi %broadcast_in_dim3A_41, %min3A_3 : vector<16xi32>
    %gather3A_43 = tpu.vector_load_idx %arg14[%add3A_42] : memref<32xf32, #tpu.memory_space<vmem>>[vector<16xi32>], vector<16xf32>,
    %broadcast_in_dim3A_44 = arith.constant 10 : i32
    %broadcast_in_dim3A_45 = vector.broadcast %broadcast_in_dim3A_44 : i32 to vector<16xi32>
    %add3A_46 = arith.addi %broadcast_in_dim3A_45, %min3A_3 : vector<16xi32>
    %gather3A_47 = tpu.vector_load_idx %arg14[%add3A_46] : memref<32xf32, #tpu.memory_space<vmem>>[vector<16xi32>], vector<16xf32>,
    %broadcast_in_dim3A_48 = arith.constant 11 : i32
    %broadcast_in_dim3A_49 = vector.broadcast %broadcast_in_dim3A_48 : i32 to vector<16xi32>
    %add3A_50 = arith.addi %broadcast_in_dim3A_49, %min3A_3 : vector<16xi32>
    %gather3A_51 = tpu.vector_load_idx %arg14[%add3A_50] : memref<32xf32, #tpu.memory_space<vmem>>[vector<16xi32>], vector<16xf32>,
    %broadcast_in_dim3A_52 = arith.constant 12 : i32
    %broadcast_in_dim3A_53 = vector.broadcast %broadcast_in_dim3A_52 : i32 to vector<16xi32>
    %add3A_54 = arith.addi %broadcast_in_dim3A_53, %min3A_3 : vector<16xi32>
    %gather3A_55 = tpu.vector_load_idx %arg14[%add3A_54] : memref<32xf32, #tpu.memory_space<vmem>>[vector<16xi32>], vector<16xf32>,
    %broadcast_in_dim3A_56 = arith.constant 13 : i32
    %broadcast_in_dim3A_57 = vector.broadcast %broadcast_in_dim3A_56 : i32 to vector<16xi32>
    %add3A_58 = arith.addi %broadcast_in_dim3A_57, %min3A_3 : vector<16xi32>
    %gather3A_59 = tpu.vector_load_idx %arg14[%add3A_58] : memref<32xf32, #tpu.memory_space<vmem>>[vector<16xi32>], vector<16xf32>,
    %broadcast_in_dim3A_60 = arith.constant 14 : i32
    %broadcast_in_dim3A_61 = vector.broadcast %broadcast_in_dim3A_60 : i32 to vector<16xi32>
    %add3A_62 = arith.addi %broadcast_in_dim3A_61, %min3A_3 : vector<16xi32>
    %gather3A_63 = tpu.vector_load_idx %arg14[%add3A_62] : memref<32xf32, #tpu.memory_space<vmem>>[vector<16xi32>], vector<16xf32>,
    %broadcast_in_dim3A_64 = arith.constant 15 : i32
    %broadcast_in_dim3A_65 = vector.broadcast %broadcast_in_dim3A_64 : i32 to vector<16xi32>
    %add3A_66 = arith.addi %broadcast_in_dim3A_65, %min3A_3 : vector<16xi32>
    %gather3A_67 = tpu.vector_load_idx %arg14[%add3A_66] : memref<32xf32, #tpu.memory_space<vmem>>[vector<16xi32>], vector<16xf32>,
    %broadcast_in_dim3A_68 = arith.constant 16 : i32
    %broadcast_in_dim3A_69 = vector.broadcast %broadcast_in_dim3A_68 : i32 to vector<16xi32>
    %add3A_70 = arith.addi %broadcast_in_dim3A_69, %min3A_3 : vector<16xi32>
    %gather3A_71 = tpu.vector_load_idx %arg14[%add3A_70] : memref<32xf32, #tpu.memory_space<vmem>>[vector<16xi32>], vector<16xf32>,
    %broadcast_in_dim3A_72 = arith.constant 17 : i32
    %broadcast_in_dim3A_73 = vector.broadcast %broadcast_in_dim3A_72 : i32 to vector<16xi32>
    %add3A_74 = arith.addi %broadcast_in_dim3A_73, %min3A_3 : vector<16xi32>
    %gather3A_75 = tpu.vector_load_idx %arg14[%add3A_74] : memref<32xf32, #tpu.memory_space<vmem>>[vector<16xi32>], vector<16xf32>,
    %broadcast_in_dim3A_76 = arith.constant 18 : i32
    %broadcast_in_dim3A_77 = vector.broadcast %broadcast_in_dim3A_76 : i32 to vector<16xi32>
    %add3A_78 = arith.addi %broadcast_in_dim3A_77, %min3A_3 : vector<16xi32>
    %gather3A_79 = tpu.vector_load_idx %arg14[%add3A_78] : memref<32xf32, #tpu.memory_space<vmem>>[vector<16xi32>], vector<16xf32>,
    %broadcast_in_dim3A_80 = arith.constant 19 : i32
    %broadcast_in_dim3A_81 = vector.broadcast %broadcast_in_dim3A_80 : i32 to vector<16xi32>
    %add3A_82 = arith.addi %broadcast_in_dim3A_81, %min3A_3 : vector<16xi32>
    %gather3A_83 = tpu.vector_load_idx %arg14[%add3A_82] : memref<32xf32, #tpu.memory_space<vmem>>[vector<16xi32>], vector<16xf32>,
    %broadcast_in_dim3A_84 = arith.constant 20 : i32
    %broadcast_in_dim3A_85 = vector.broadcast %broadcast_in_dim3A_84 : i32 to vector<16xi32>
    %add3A_86 = arith.addi %broadcast_in_dim3A_85, %min3A_3 : vector<16xi32>
    %gather3A_87 = tpu.vector_load_idx %arg14[%add3A_86] : memref<32xf32, #tpu.memory_space<vmem>>[vector<16xi32>], vector<16xf32>,
    %broadcast_in_dim3A_88 = arith.constant 21 : i32
    %broadcast_in_dim3A_89 = vector.broadcast %broadcast_in_dim3A_88 : i32 to vector<16xi32>
    %add3A_90 = arith.addi %broadcast_in_dim3A_89, %min3A_3 : vector<16xi32>
    %gather3A_91 = tpu.vector_load_idx %arg14[%add3A_90] : memref<32xf32, #tpu.memory_space<vmem>>[vector<16xi32>], vector<16xf32>,
    %broadcast_in_dim3A_92 = arith.constant 22 : i32
    %broadcast_in_dim3A_93 = vector.broadcast %broadcast_in_dim3A_92 : i32 to vector<16xi32>
    %add3A_94 = arith.addi %broadcast_in_dim3A_93, %min3A_3 : vector<16xi32>
    %gather3A_95 = tpu.vector_load_idx %arg14[%add3A_94] : memref<32xf32, #tpu.memory_space<vmem>>[vector<16xi32>], vector<16xf32>,
    %broadcast_in_dim3A_96 = arith.constant 23 : i32
    %broadcast_in_dim3A_97 = vector.broadcast %broadcast_in_dim3A_96 : i32 to vector<16xi32>
    %add3A_98 = arith.addi %broadcast_in_dim3A_97, %min3A_3 : vector<16xi32>
    %gather3A_99 = tpu.vector_load_idx %arg14[%add3A_98] : memref<32xf32, #tpu.memory_space<vmem>>[vector<16xi32>], vector<16xf32>,
    %broadcast_in_dim3A_100 = arith.constant 24 : i32
    %broadcast_in_dim3A_101 = vector.broadcast %broadcast_in_dim3A_100 : i32 to vector<16xi32>
    %add3A_102 = arith.addi %broadcast_in_dim3A_101, %min3A_3 : vector<16xi32>
    %gather3A_103 = tpu.vector_load_idx %arg14[%add3A_102] : memref<32xf32, #tpu.memory_space<vmem>>[vector<16xi32>], vector<16xf32>,
    %broadcast_in_dim3A_104 = arith.constant 25 : i32
    %broadcast_in_dim3A_105 = vector.broadcast %broadcast_in_dim3A_104 : i32 to vector<16xi32>
    %add3A_106 = arith.addi %broadcast_in_dim3A_105, %min3A_3 : vector<16xi32>
    %gather3A_107 = tpu.vector_load_idx %arg14[%add3A_106] : memref<32xf32, #tpu.memory_space<vmem>>[vector<16xi32>], vector<16xf32>,
    %mul3A_108 = arith.constant 26 : i32
    %mul3A_109 = arith.muli %add3A, %mul3A_108 : i32
    %min3A_110 = arith.constant 755 : i32
    %min3A_111 = arith.minsi %mul3A_109, %min3A_110 : i32
    %mul3A_112 = arith.constant 128 : i32
    %mul3A_113 = arith.muli %min3A_111, %mul3A_112 : i32
    %add3A_114 = arith.constant 0 : i32
    %add3A_115 = arith.addi %mul3A_113, %add3A_114 : i32
    %dma_start3A = arith.constant 0 : i32
    %dma_start3A_116 = arith.constant 0 : i32
    %dma_start3A_117 = tpu.memref_slice %arg8[%dma_start3A, %dma_start3A_116] : memref<25x1024xf32, #tpu.memory_space<vmem>> -> memref<25x1024xf32, #tpu.memory_space<vmem>>
    %dma_start3A_118 = arith.constant 0 : i32
    %dma_start3A_119 = tpu.memref_slice %arg2[%dma_start3A_118, %add3A_115] : memref<25x100000xf32, #tpu.memory_space<hbm>> -> memref<25x1024xf32, #tpu.memory_space<hbm>>
    %dma_start3A_120 = arith.constant 0 : i32
    %dma_start3A_121 = arith.constant 0 : i32
    %dma_start3A_122 = tpu.memref_slice %arg8[%dma_start3A_120, %dma_start3A_121] : memref<25x1024xf32, #tpu.memory_space<vmem>> -> memref<25x1024xf32, #tpu.memory_space<vmem>>
    %dma_start3A_123 = arith.constant 0 : i32
    %dma_start3A_124 = tpu.memref_slice %arg2[%dma_start3A_123, %add3A_115] : memref<25x100000xf32, #tpu.memory_space<hbm>> -> memref<25x1024xf32, #tpu.memory_space<hbm>>
    tpu.enqueue_dma source(%dma_start3A_124 : memref<25x1024xf32, #tpu.memory_space<hbm>>) target(%dma_start3A_122 : memref<25x1024xf32, #tpu.memory_space<vmem>>) target_semaphore(%arg15 : memref<!tpu.dma_semaphore, #tpu.memory_space<semaphore_mem>>)
    %add3A_125 = arith.constant 1024 : i32
    %add3A_126 = arith.addi %mul3A_113, %add3A_125 : i32
    %dma_start3A_127 = arith.constant 0 : i32
    %dma_start3A_128 = arith.constant 0 : i32
    %dma_start3A_129 = tpu.memref_slice %arg9[%dma_start3A_127, %dma_start3A_128] : memref<25x1024xf32, #tpu.memory_space<vmem>> -> memref<25x768xf32, #tpu.memory_space<vmem>>
    %dma_start3A_130 = arith.constant 0 : i32
    %dma_start3A_131 = tpu.memref_slice %arg2[%dma_start3A_130, %add3A_126] : memref<25x100000xf32, #tpu.memory_space<hbm>> -> memref<25x768xf32, #tpu.memory_space<hbm>>
    %dma_start3A_132 = arith.constant 0 : i32
    %dma_start3A_133 = arith.constant 0 : i32
    %dma_start3A_134 = tpu.memref_slice %arg9[%dma_start3A_132, %dma_start3A_133] : memref<25x1024xf32, #tpu.memory_space<vmem>> -> memref<25x768xf32, #tpu.memory_space<vmem>>
    %dma_start3A_135 = arith.constant 0 : i32
    %dma_start3A_136 = tpu.memref_slice %arg2[%dma_start3A_135, %add3A_126] : memref<25x100000xf32, #tpu.memory_space<hbm>> -> memref<25x768xf32, #tpu.memory_space<hbm>>
    tpu.enqueue_dma source(%dma_start3A_136 : memref<25x768xf32, #tpu.memory_space<hbm>>) target(%dma_start3A_134 : memref<25x768xf32, #tpu.memory_space<vmem>>) target_semaphore(%arg16 : memref<!tpu.dma_semaphore, #tpu.memory_space<semaphore_mem>>)
    %dma_wait3A = arith.constant 0 : i32
    %dma_wait3A_137 = arith.constant 0 : i32
    %dma_wait3A_138 = tpu.memref_slice %arg8[%dma_wait3A, %dma_wait3A_137] : memref<25x1024xf32, #tpu.memory_space<vmem>> -> memref<25x1024xf32, #tpu.memory_space<vmem>>
    %dma_wait3A_139 = arith.constant 0 : i32
    %dma_wait3A_140 = tpu.memref_slice %arg2[%dma_wait3A_139, %add3A_115] : memref<25x100000xf32, #tpu.memory_space<hbm>> -> memref<25x1024xf32, #tpu.memory_space<hbm>>
    %dma_wait3A_141 = arith.constant 0 : i32
    %dma_wait3A_142 = arith.constant 0 : i32
    %dma_wait3A_143 = tpu.memref_slice %arg8[%dma_wait3A_141, %dma_wait3A_142] : memref<25x1024xf32, #tpu.memory_space<vmem>> -> memref<25x1024xf32, #tpu.memory_space<vmem>>
    %dma_wait3A_144 = arith.constant 0 : i32
    %dma_wait3A_145 = tpu.memref_slice %arg2[%dma_wait3A_144, %add3A_115] : memref<25x100000xf32, #tpu.memory_space<hbm>> -> memref<25x1024xf32, #tpu.memory_space<hbm>>
    tpu.wait_dma2 semaphore(%arg15 : memref<!tpu.dma_semaphore, #tpu.memory_space<semaphore_mem>>) src(%dma_wait3A_145 : memref<25x1024xf32, #tpu.memory_space<hbm>>) dst(%dma_wait3A_143 : memref<25x1024xf32, #tpu.memory_space<vmem>>)
    %scan3A = arith.constant 0 : i32
    %scan3A_146 = arith.constant 0 : i32
    %scan3A_147 = arith.constant 64 : i32
    %scan3A_148 = arith.addi %scan3A_146, %scan3A_147 : i32
    %scan3A_149 = arith.constant 1 : i32
    scf.for %scan3A_226 = %scan3A_146 to %scan3A_148 step %scan3A_149  : i32 {
      %mul3A_227 = arith.constant 16 : i32
      %mul3A_228 = arith.muli %scan3A_226, %mul3A_227 : i32
      %get3A = arith.constant 0 : i32
      %get3A_229 = arith.index_cast %get3A : i32 to index
      %get3A_230 = arith.index_cast %mul3A_228 : i32 to index
      %get3A_231 = tpu.vector_load %arg8[%get3A_229, %get3A_230] {strides = array<i32>} : memref<25x1024xf32, #tpu.memory_space<vmem>>, vector<16xf32>,
      %convert_element_type3A_232 = arith.fptosi %get3A_231 : vector<16xf32> to vector<16xi32>
      %gather3A_233 = tpu.vector_load_idx %arg13[%convert_element_type3A_232] : memref<1000xf32, #tpu.memory_space<vmem>>[vector<16xi32>], vector<16xf32>,
      %get3A_234 = arith.constant 1 : i32
      %get3A_235 = arith.index_cast %get3A_234 : i32 to index
      %get3A_236 = arith.index_cast %mul3A_228 : i32 to index
      %get3A_237 = tpu.vector_load %arg8[%get3A_235, %get3A_236] {strides = array<i32>} : memref<25x1024xf32, #tpu.memory_space<vmem>>, vector<16xf32>,
      %mul3A_238 = arith.mulf %get3A_237, %gather3A_7 : vector<16xf32>
      %add3A_239 = arith.addf %gather3A_103, %mul3A_238 : vector<16xf32>
      %get3A_240 = arith.constant 2 : i32
      %get3A_241 = arith.index_cast %get3A_240 : i32 to index
      %get3A_242 = arith.index_cast %mul3A_228 : i32 to index
      %get3A_243 = tpu.vector_load %arg8[%get3A_241, %get3A_242] {strides = array<i32>} : memref<25x1024xf32, #tpu.memory_space<vmem>>, vector<16xf32>,
      %mul3A_244 = arith.mulf %get3A_243, %gather3A_11 : vector<16xf32>
      %add3A_245 = arith.addf %add3A_239, %mul3A_244 : vector<16xf32>
      %get3A_246 = arith.constant 3 : i32
      %get3A_247 = arith.index_cast %get3A_246 : i32 to index
      %get3A_248 = arith.index_cast %mul3A_228 : i32 to index
      %get3A_249 = tpu.vector_load %arg8[%get3A_247, %get3A_248] {strides = array<i32>} : memref<25x1024xf32, #tpu.memory_space<vmem>>, vector<16xf32>,
      %mul3A_250 = arith.mulf %get3A_249, %gather3A_15 : vector<16xf32>
      %add3A_251 = arith.addf %add3A_245, %mul3A_250 : vector<16xf32>
      %get3A_252 = arith.constant 4 : i32
      %get3A_253 = arith.index_cast %get3A_252 : i32 to index
      %get3A_254 = arith.index_cast %mul3A_228 : i32 to index
      %get3A_255 = tpu.vector_load %arg8[%get3A_253, %get3A_254] {strides = array<i32>} : memref<25x1024xf32, #tpu.memory_space<vmem>>, vector<16xf32>,
      %mul3A_256 = arith.mulf %get3A_255, %gather3A_19 : vector<16xf32>
      %add3A_257 = arith.addf %add3A_251, %mul3A_256 : vector<16xf32>
      %get3A_258 = arith.constant 5 : i32
      %get3A_259 = arith.index_cast %get3A_258 : i32 to index
      %get3A_260 = arith.index_cast %mul3A_228 : i32 to index
      %get3A_261 = tpu.vector_load %arg8[%get3A_259, %get3A_260] {strides = array<i32>} : memref<25x1024xf32, #tpu.memory_space<vmem>>, vector<16xf32>,
      %mul3A_262 = arith.mulf %get3A_261, %gather3A_23 : vector<16xf32>
      %add3A_263 = arith.addf %add3A_257, %mul3A_262 : vector<16xf32>
      %get3A_264 = arith.constant 6 : i32
      %get3A_265 = arith.index_cast %get3A_264 : i32 to index
      %get3A_266 = arith.index_cast %mul3A_228 : i32 to index
      %get3A_267 = tpu.vector_load %arg8[%get3A_265, %get3A_266] {strides = array<i32>} : memref<25x1024xf32, #tpu.memory_space<vmem>>, vector<16xf32>,
      %mul3A_268 = arith.mulf %get3A_267, %gather3A_27 : vector<16xf32>
      %add3A_269 = arith.addf %add3A_263, %mul3A_268 : vector<16xf32>
      %get3A_270 = arith.constant 7 : i32
      %get3A_271 = arith.index_cast %get3A_270 : i32 to index
      %get3A_272 = arith.index_cast %mul3A_228 : i32 to index
      %get3A_273 = tpu.vector_load %arg8[%get3A_271, %get3A_272] {strides = array<i32>} : memref<25x1024xf32, #tpu.memory_space<vmem>>, vector<16xf32>,
      %mul3A_274 = arith.mulf %get3A_273, %gather3A_31 : vector<16xf32>
      %add3A_275 = arith.addf %add3A_269, %mul3A_274 : vector<16xf32>
      %get3A_276 = arith.constant 8 : i32
      %get3A_277 = arith.index_cast %get3A_276 : i32 to index
      %get3A_278 = arith.index_cast %mul3A_228 : i32 to index
      %get3A_279 = tpu.vector_load %arg8[%get3A_277, %get3A_278] {strides = array<i32>} : memref<25x1024xf32, #tpu.memory_space<vmem>>, vector<16xf32>,
      %mul3A_280 = arith.mulf %get3A_279, %gather3A_35 : vector<16xf32>
      %add3A_281 = arith.addf %add3A_275, %mul3A_280 : vector<16xf32>
      %get3A_282 = arith.constant 9 : i32
      %get3A_283 = arith.index_cast %get3A_282 : i32 to index
      %get3A_284 = arith.index_cast %mul3A_228 : i32 to index
      %get3A_285 = tpu.vector_load %arg8[%get3A_283, %get3A_284] {strides = array<i32>} : memref<25x1024xf32, #tpu.memory_space<vmem>>, vector<16xf32>,
      %mul3A_286 = arith.mulf %get3A_285, %gather3A_39 : vector<16xf32>
      %add3A_287 = arith.addf %gather3A_107, %mul3A_286 : vector<16xf32>
      %get3A_288 = arith.constant 10 : i32
      %get3A_289 = arith.index_cast %get3A_288 : i32 to index
      %get3A_290 = arith.index_cast %mul3A_228 : i32 to index
      %get3A_291 = tpu.vector_load %arg8[%get3A_289, %get3A_290] {strides = array<i32>} : memref<25x1024xf32, #tpu.memory_space<vmem>>, vector<16xf32>,
      %mul3A_292 = arith.mulf %get3A_291, %gather3A_43 : vector<16xf32>
      %add3A_293 = arith.addf %add3A_287, %mul3A_292 : vector<16xf32>
      %get3A_294 = arith.constant 11 : i32
      %get3A_295 = arith.index_cast %get3A_294 : i32 to index
      %get3A_296 = arith.index_cast %mul3A_228 : i32 to index
      %get3A_297 = tpu.vector_load %arg8[%get3A_295, %get3A_296] {strides = array<i32>} : memref<25x1024xf32, #tpu.memory_space<vmem>>, vector<16xf32>,
      %mul3A_298 = arith.mulf %get3A_297, %gather3A_47 : vector<16xf32>
      %add3A_299 = arith.addf %add3A_293, %mul3A_298 : vector<16xf32>
      %get3A_300 = arith.constant 12 : i32
      %get3A_301 = arith.index_cast %get3A_300 : i32 to index
      %get3A_302 = arith.index_cast %mul3A_228 : i32 to index
      %get3A_303 = tpu.vector_load %arg8[%get3A_301, %get3A_302] {strides = array<i32>} : memref<25x1024xf32, #tpu.memory_space<vmem>>, vector<16xf32>,
      %mul3A_304 = arith.mulf %get3A_303, %gather3A_51 : vector<16xf32>
      %add3A_305 = arith.addf %add3A_299, %mul3A_304 : vector<16xf32>
      %get3A_306 = arith.constant 13 : i32
      %get3A_307 = arith.index_cast %get3A_306 : i32 to index
      %get3A_308 = arith.index_cast %mul3A_228 : i32 to index
      %get3A_309 = tpu.vector_load %arg8[%get3A_307, %get3A_308] {strides = array<i32>} : memref<25x1024xf32, #tpu.memory_space<vmem>>, vector<16xf32>,
      %mul3A_310 = arith.mulf %get3A_309, %gather3A_55 : vector<16xf32>
      %add3A_311 = arith.addf %add3A_305, %mul3A_310 : vector<16xf32>
      %get3A_312 = arith.constant 14 : i32
      %get3A_313 = arith.index_cast %get3A_312 : i32 to index
      %get3A_314 = arith.index_cast %mul3A_228 : i32 to index
      %get3A_315 = tpu.vector_load %arg8[%get3A_313, %get3A_314] {strides = array<i32>} : memref<25x1024xf32, #tpu.memory_space<vmem>>, vector<16xf32>,
      %mul3A_316 = arith.mulf %get3A_315, %gather3A_59 : vector<16xf32>
      %add3A_317 = arith.addf %add3A_311, %mul3A_316 : vector<16xf32>
      %get3A_318 = arith.constant 15 : i32
      %get3A_319 = arith.index_cast %get3A_318 : i32 to index
      %get3A_320 = arith.index_cast %mul3A_228 : i32 to index
      %get3A_321 = tpu.vector_load %arg8[%get3A_319, %get3A_320] {strides = array<i32>} : memref<25x1024xf32, #tpu.memory_space<vmem>>, vector<16xf32>,
      %mul3A_322 = arith.mulf %get3A_321, %gather3A_63 : vector<16xf32>
      %add3A_323 = arith.addf %add3A_317, %mul3A_322 : vector<16xf32>
      %get3A_324 = arith.constant 16 : i32
      %get3A_325 = arith.index_cast %get3A_324 : i32 to index
      %get3A_326 = arith.index_cast %mul3A_228 : i32 to index
      %get3A_327 = tpu.vector_load %arg8[%get3A_325, %get3A_326] {strides = array<i32>} : memref<25x1024xf32, #tpu.memory_space<vmem>>, vector<16xf32>,
      %mul3A_328 = arith.mulf %get3A_327, %gather3A_67 : vector<16xf32>
      %add3A_329 = arith.addf %add3A_323, %mul3A_328 : vector<16xf32>
      %get3A_330 = arith.constant 17 : i32
      %get3A_331 = arith.index_cast %get3A_330 : i32 to index
      %get3A_332 = arith.index_cast %mul3A_228 : i32 to index
      %get3A_333 = tpu.vector_load %arg8[%get3A_331, %get3A_332] {strides = array<i32>} : memref<25x1024xf32, #tpu.memory_space<vmem>>, vector<16xf32>,
      %mul3A_334 = arith.mulf %get3A_333, %gather3A_71 : vector<16xf32>
      %add3A_335 = arith.addf %add3A_329, %mul3A_334 : vector<16xf32>
      %get3A_336 = arith.constant 18 : i32
      %get3A_337 = arith.index_cast %get3A_336 : i32 to index
      %get3A_338 = arith.index_cast %mul3A_228 : i32 to index
      %get3A_339 = tpu.vector_load %arg8[%get3A_337, %get3A_338] {strides = array<i32>} : memref<25x1024xf32, #tpu.memory_space<vmem>>, vector<16xf32>,
      %mul3A_340 = arith.mulf %get3A_339, %gather3A_75 : vector<16xf32>
      %add3A_341 = arith.addf %add3A_335, %mul3A_340 : vector<16xf32>
      %get3A_342 = arith.constant 19 : i32
      %get3A_343 = arith.index_cast %get3A_342 : i32 to index
      %get3A_344 = arith.index_cast %mul3A_228 : i32 to index
      %get3A_345 = tpu.vector_load %arg8[%get3A_343, %get3A_344] {strides = array<i32>} : memref<25x1024xf32, #tpu.memory_space<vmem>>, vector<16xf32>,
      %mul3A_346 = arith.mulf %get3A_345, %gather3A_79 : vector<16xf32>
      %add3A_347 = arith.addf %add3A_341, %mul3A_346 : vector<16xf32>
      %get3A_348 = arith.constant 20 : i32
      %get3A_349 = arith.index_cast %get3A_348 : i32 to index
      %get3A_350 = arith.index_cast %mul3A_228 : i32 to index
      %get3A_351 = tpu.vector_load %arg8[%get3A_349, %get3A_350] {strides = array<i32>} : memref<25x1024xf32, #tpu.memory_space<vmem>>, vector<16xf32>,
      %mul3A_352 = arith.mulf %get3A_351, %gather3A_83 : vector<16xf32>
      %add3A_353 = arith.addf %add3A_347, %mul3A_352 : vector<16xf32>
      %get3A_354 = arith.constant 21 : i32
      %get3A_355 = arith.index_cast %get3A_354 : i32 to index
      %get3A_356 = arith.index_cast %mul3A_228 : i32 to index
      %get3A_357 = tpu.vector_load %arg8[%get3A_355, %get3A_356] {strides = array<i32>} : memref<25x1024xf32, #tpu.memory_space<vmem>>, vector<16xf32>,
      %mul3A_358 = arith.mulf %get3A_357, %gather3A_87 : vector<16xf32>
      %add3A_359 = arith.addf %add3A_353, %mul3A_358 : vector<16xf32>
      %get3A_360 = arith.constant 22 : i32
      %get3A_361 = arith.index_cast %get3A_360 : i32 to index
      %get3A_362 = arith.index_cast %mul3A_228 : i32 to index
      %get3A_363 = tpu.vector_load %arg8[%get3A_361, %get3A_362] {strides = array<i32>} : memref<25x1024xf32, #tpu.memory_space<vmem>>, vector<16xf32>,
      %mul3A_364 = arith.mulf %get3A_363, %gather3A_91 : vector<16xf32>
      %add3A_365 = arith.addf %add3A_359, %mul3A_364 : vector<16xf32>
      %get3A_366 = arith.constant 23 : i32
      %get3A_367 = arith.index_cast %get3A_366 : i32 to index
      %get3A_368 = arith.index_cast %mul3A_228 : i32 to index
      %get3A_369 = tpu.vector_load %arg8[%get3A_367, %get3A_368] {strides = array<i32>} : memref<25x1024xf32, #tpu.memory_space<vmem>>, vector<16xf32>,
      %mul3A_370 = arith.mulf %get3A_369, %gather3A_95 : vector<16xf32>
      %add3A_371 = arith.addf %add3A_365, %mul3A_370 : vector<16xf32>
      %get3A_372 = arith.constant 24 : i32
      %get3A_373 = arith.index_cast %get3A_372 : i32 to index
      %get3A_374 = arith.index_cast %mul3A_228 : i32 to index
      %get3A_375 = tpu.vector_load %arg8[%get3A_373, %get3A_374] {strides = array<i32>} : memref<25x1024xf32, #tpu.memory_space<vmem>>, vector<16xf32>,
      %mul3A_376 = arith.mulf %get3A_375, %gather3A_99 : vector<16xf32>
      %add3A_377 = arith.addf %add3A_371, %mul3A_376 : vector<16xf32>
      %mul3A_378 = arith.constant 16 : i32
      %mul3A_379 = arith.muli %scan3A_226, %mul3A_378 : i32
      %add3A_380 = arith.constant 0 : i32
      %add3A_381 = arith.addi %add3A_380, %mul3A_379 : i32
      %abs3A_382 = math.absf %gather3A_233 : vector<16xf32>
      %swap3A = arith.constant 0 : i32
      %swap3A_383 = arith.index_cast %swap3A : i32 to index
      %swap3A_384 = arith.index_cast %add3A_381 : i32 to index
      %swap3A_385 = tpu.vector_load %arg10[%swap3A_383, %swap3A_384] {strides = array<i32>} : memref<3x3328xf32, #tpu.memory_space<vmem>>, vector<16xf32>,
      tpu.vector_store %arg10[%swap3A_383, %swap3A_384], %abs3A_382 {strides = array<i32>} : memref<3x3328xf32, #tpu.memory_space<vmem>>, vector<16xf32>,
      %abs3A_386 = math.absf %add3A_281 : vector<16xf32>
      %swap3A_387 = arith.constant 1 : i32
      %swap3A_388 = arith.index_cast %swap3A_387 : i32 to index
      %swap3A_389 = arith.index_cast %add3A_381 : i32 to index
      %swap3A_390 = tpu.vector_load %arg10[%swap3A_388, %swap3A_389] {strides = array<i32>} : memref<3x3328xf32, #tpu.memory_space<vmem>>, vector<16xf32>,
      tpu.vector_store %arg10[%swap3A_388, %swap3A_389], %abs3A_386 {strides = array<i32>} : memref<3x3328xf32, #tpu.memory_space<vmem>>, vector<16xf32>,
      %abs3A_391 = math.absf %add3A_377 : vector<16xf32>
      %swap3A_392 = arith.constant 2 : i32
      %swap3A_393 = arith.index_cast %swap3A_392 : i32 to index
      %swap3A_394 = arith.index_cast %add3A_381 : i32 to index
      %swap3A_395 = tpu.vector_load %arg10[%swap3A_393, %swap3A_394] {strides = array<i32>} : memref<3x3328xf32, #tpu.memory_space<vmem>>, vector<16xf32>,
      tpu.vector_store %arg10[%swap3A_393, %swap3A_394], %abs3A_391 {strides = array<i32>} : memref<3x3328xf32, #tpu.memory_space<vmem>>, vector<16xf32>,
    }
    %scan3A_150 = arith.constant 64 : i32
    %add3A_151 = arith.constant 1792 : i32
    %add3A_152 = arith.addi %mul3A_113, %add3A_151 : i32
    %dma_start3A_153 = arith.constant 0 : i32
    %dma_start3A_154 = arith.constant 0 : i32
    %dma_start3A_155 = tpu.memref_slice %arg8[%dma_start3A_153, %dma_start3A_154] : memref<25x1024xf32, #tpu.memory_space<vmem>> -> memref<25x768xf32, #tpu.memory_space<vmem>>
    %dma_start3A_156 = arith.constant 0 : i32
    %dma_start3A_157 = tpu.memref_slice %arg2[%dma_start3A_156, %add3A_152] : memref<25x100000xf32, #tpu.memory_space<hbm>> -> memref<25x768xf32, #tpu.memory_space<hbm>>
    %dma_start3A_158 = arith.constant 0 : i32
    %dma_start3A_159 = arith.constant 0 : i32
    %dma_start3A_160 = tpu.memref_slice %arg8[%dma_start3A_158, %dma_start3A_159] : memref<25x1024xf32, #tpu.memory_space<vmem>> -> memref<25x768xf32, #tpu.memory_space<vmem>>
    %dma_start3A_161 = arith.constant 0 : i32
    %dma_start3A_162 = tpu.memref_slice %arg2[%dma_start3A_161, %add3A_152] : memref<25x100000xf32, #tpu.memory_space<hbm>> -> memref<25x768xf32, #tpu.memory_space<hbm>>
    tpu.enqueue_dma source(%dma_start3A_162 : memref<25x768xf32, #tpu.memory_space<hbm>>) target(%dma_start3A_160 : memref<25x768xf32, #tpu.memory_space<vmem>>) target_semaphore(%arg15 : memref<!tpu.dma_semaphore, #tpu.memory_space<semaphore_mem>>)
    %dma_wait3A_163 = arith.constant 0 : i32
    %dma_wait3A_164 = arith.constant 0 : i32
    %dma_wait3A_165 = tpu.memref_slice %arg9[%dma_wait3A_163, %dma_wait3A_164] : memref<25x1024xf32, #tpu.memory_space<vmem>> -> memref<25x768xf32, #tpu.memory_space<vmem>>
    %dma_wait3A_166 = arith.constant 0 : i32
    %dma_wait3A_167 = tpu.memref_slice %arg2[%dma_wait3A_166, %add3A_126] : memref<25x100000xf32, #tpu.memory_space<hbm>> -> memref<25x768xf32, #tpu.memory_space<hbm>>
    %dma_wait3A_168 = arith.constant 0 : i32
    %dma_wait3A_169 = arith.constant 0 : i32
    %dma_wait3A_170 = tpu.memref_slice %arg9[%dma_wait3A_168, %dma_wait3A_169] : memref<25x1024xf32, #tpu.memory_space<vmem>> -> memref<25x768xf32, #tpu.memory_space<vmem>>
    %dma_wait3A_171 = arith.constant 0 : i32
    %dma_wait3A_172 = tpu.memref_slice %arg2[%dma_wait3A_171, %add3A_126] : memref<25x100000xf32, #tpu.memory_space<hbm>> -> memref<25x768xf32, #tpu.memory_space<hbm>>
    tpu.wait_dma2 semaphore(%arg16 : memref<!tpu.dma_semaphore, #tpu.memory_space<semaphore_mem>>) src(%dma_wait3A_172 : memref<25x768xf32, #tpu.memory_space<hbm>>) dst(%dma_wait3A_170 : memref<25x768xf32, #tpu.memory_space<vmem>>)
    %scan3A_173 = arith.constant 0 : i32
    %scan3A_174 = arith.constant 0 : i32
    %scan3A_175 = arith.constant 48 : i32
    %scan3A_176 = arith.addi %scan3A_174, %scan3A_175 : i32
    %scan3A_177 = arith.constant 1 : i32
    scf.for %scan3A_226 = %scan3A_174 to %scan3A_176 step %scan3A_177  : i32 {
      %mul3A_227 = arith.constant 16 : i32
      %mul3A_228 = arith.muli %scan3A_226, %mul3A_227 : i32
      %get3A = arith.constant 0 : i32
      %get3A_229 = arith.index_cast %get3A : i32 to index
      %get3A_230 = arith.index_cast %mul3A_228 : i32 to index
      %get3A_231 = tpu.vector_load %arg9[%get3A_229, %get3A_230] {strides = array<i32>} : memref<25x1024xf32, #tpu.memory_space<vmem>>, vector<16xf32>,
      %convert_element_type3A_232 = arith.fptosi %get3A_231 : vector<16xf32> to vector<16xi32>
      %gather3A_233 = tpu.vector_load_idx %arg13[%convert_element_type3A_232] : memref<1000xf32, #tpu.memory_space<vmem>>[vector<16xi32>], vector<16xf32>,
      %get3A_234 = arith.constant 1 : i32
      %get3A_235 = arith.index_cast %get3A_234 : i32 to index
      %get3A_236 = arith.index_cast %mul3A_228 : i32 to index
      %get3A_237 = tpu.vector_load %arg9[%get3A_235, %get3A_236] {strides = array<i32>} : memref<25x1024xf32, #tpu.memory_space<vmem>>, vector<16xf32>,
      %mul3A_238 = arith.mulf %get3A_237, %gather3A_7 : vector<16xf32>
      %add3A_239 = arith.addf %gather3A_103, %mul3A_238 : vector<16xf32>
      %get3A_240 = arith.constant 2 : i32
      %get3A_241 = arith.index_cast %get3A_240 : i32 to index
      %get3A_242 = arith.index_cast %mul3A_228 : i32 to index
      %get3A_243 = tpu.vector_load %arg9[%get3A_241, %get3A_242] {strides = array<i32>} : memref<25x1024xf32, #tpu.memory_space<vmem>>, vector<16xf32>,
      %mul3A_244 = arith.mulf %get3A_243, %gather3A_11 : vector<16xf32>
      %add3A_245 = arith.addf %add3A_239, %mul3A_244 : vector<16xf32>
      %get3A_246 = arith.constant 3 : i32
      %get3A_247 = arith.index_cast %get3A_246 : i32 to index
      %get3A_248 = arith.index_cast %mul3A_228 : i32 to index
      %get3A_249 = tpu.vector_load %arg9[%get3A_247, %get3A_248] {strides = array<i32>} : memref<25x1024xf32, #tpu.memory_space<vmem>>, vector<16xf32>,
      %mul3A_250 = arith.mulf %get3A_249, %gather3A_15 : vector<16xf32>
      %add3A_251 = arith.addf %add3A_245, %mul3A_250 : vector<16xf32>
      %get3A_252 = arith.constant 4 : i32
      %get3A_253 = arith.index_cast %get3A_252 : i32 to index
      %get3A_254 = arith.index_cast %mul3A_228 : i32 to index
      %get3A_255 = tpu.vector_load %arg9[%get3A_253, %get3A_254] {strides = array<i32>} : memref<25x1024xf32, #tpu.memory_space<vmem>>, vector<16xf32>,
      %mul3A_256 = arith.mulf %get3A_255, %gather3A_19 : vector<16xf32>
      %add3A_257 = arith.addf %add3A_251, %mul3A_256 : vector<16xf32>
      %get3A_258 = arith.constant 5 : i32
      %get3A_259 = arith.index_cast %get3A_258 : i32 to index
      %get3A_260 = arith.index_cast %mul3A_228 : i32 to index
      %get3A_261 = tpu.vector_load %arg9[%get3A_259, %get3A_260] {strides = array<i32>} : memref<25x1024xf32, #tpu.memory_space<vmem>>, vector<16xf32>,
      %mul3A_262 = arith.mulf %get3A_261, %gather3A_23 : vector<16xf32>
      %add3A_263 = arith.addf %add3A_257, %mul3A_262 : vector<16xf32>
      %get3A_264 = arith.constant 6 : i32
      %get3A_265 = arith.index_cast %get3A_264 : i32 to index
      %get3A_266 = arith.index_cast %mul3A_228 : i32 to index
      %get3A_267 = tpu.vector_load %arg9[%get3A_265, %get3A_266] {strides = array<i32>} : memref<25x1024xf32, #tpu.memory_space<vmem>>, vector<16xf32>,
      %mul3A_268 = arith.mulf %get3A_267, %gather3A_27 : vector<16xf32>
      %add3A_269 = arith.addf %add3A_263, %mul3A_268 : vector<16xf32>
      %get3A_270 = arith.constant 7 : i32
      %get3A_271 = arith.index_cast %get3A_270 : i32 to index
      %get3A_272 = arith.index_cast %mul3A_228 : i32 to index
      %get3A_273 = tpu.vector_load %arg9[%get3A_271, %get3A_272] {strides = array<i32>} : memref<25x1024xf32, #tpu.memory_space<vmem>>, vector<16xf32>,
      %mul3A_274 = arith.mulf %get3A_273, %gather3A_31 : vector<16xf32>
      %add3A_275 = arith.addf %add3A_269, %mul3A_274 : vector<16xf32>
      %get3A_276 = arith.constant 8 : i32
      %get3A_277 = arith.index_cast %get3A_276 : i32 to index
      %get3A_278 = arith.index_cast %mul3A_228 : i32 to index
      %get3A_279 = tpu.vector_load %arg9[%get3A_277, %get3A_278] {strides = array<i32>} : memref<25x1024xf32, #tpu.memory_space<vmem>>, vector<16xf32>,
      %mul3A_280 = arith.mulf %get3A_279, %gather3A_35 : vector<16xf32>
      %add3A_281 = arith.addf %add3A_275, %mul3A_280 : vector<16xf32>
      %get3A_282 = arith.constant 9 : i32
      %get3A_283 = arith.index_cast %get3A_282 : i32 to index
      %get3A_284 = arith.index_cast %mul3A_228 : i32 to index
      %get3A_285 = tpu.vector_load %arg9[%get3A_283, %get3A_284] {strides = array<i32>} : memref<25x1024xf32, #tpu.memory_space<vmem>>, vector<16xf32>,
      %mul3A_286 = arith.mulf %get3A_285, %gather3A_39 : vector<16xf32>
      %add3A_287 = arith.addf %gather3A_107, %mul3A_286 : vector<16xf32>
      %get3A_288 = arith.constant 10 : i32
      %get3A_289 = arith.index_cast %get3A_288 : i32 to index
      %get3A_290 = arith.index_cast %mul3A_228 : i32 to index
      %get3A_291 = tpu.vector_load %arg9[%get3A_289, %get3A_290] {strides = array<i32>} : memref<25x1024xf32, #tpu.memory_space<vmem>>, vector<16xf32>,
      %mul3A_292 = arith.mulf %get3A_291, %gather3A_43 : vector<16xf32>
      %add3A_293 = arith.addf %add3A_287, %mul3A_292 : vector<16xf32>
      %get3A_294 = arith.constant 11 : i32
      %get3A_295 = arith.index_cast %get3A_294 : i32 to index
      %get3A_296 = arith.index_cast %mul3A_228 : i32 to index
      %get3A_297 = tpu.vector_load %arg9[%get3A_295, %get3A_296] {strides = array<i32>} : memref<25x1024xf32, #tpu.memory_space<vmem>>, vector<16xf32>,
      %mul3A_298 = arith.mulf %get3A_297, %gather3A_47 : vector<16xf32>
      %add3A_299 = arith.addf %add3A_293, %mul3A_298 : vector<16xf32>
      %get3A_300 = arith.constant 12 : i32
      %get3A_301 = arith.index_cast %get3A_300 : i32 to index
      %get3A_302 = arith.index_cast %mul3A_228 : i32 to index
      %get3A_303 = tpu.vector_load %arg9[%get3A_301, %get3A_302] {strides = array<i32>} : memref<25x1024xf32, #tpu.memory_space<vmem>>, vector<16xf32>,
      %mul3A_304 = arith.mulf %get3A_303, %gather3A_51 : vector<16xf32>
      %add3A_305 = arith.addf %add3A_299, %mul3A_304 : vector<16xf32>
      %get3A_306 = arith.constant 13 : i32
      %get3A_307 = arith.index_cast %get3A_306 : i32 to index
      %get3A_308 = arith.index_cast %mul3A_228 : i32 to index
      %get3A_309 = tpu.vector_load %arg9[%get3A_307, %get3A_308] {strides = array<i32>} : memref<25x1024xf32, #tpu.memory_space<vmem>>, vector<16xf32>,
      %mul3A_310 = arith.mulf %get3A_309, %gather3A_55 : vector<16xf32>
      %add3A_311 = arith.addf %add3A_305, %mul3A_310 : vector<16xf32>
      %get3A_312 = arith.constant 14 : i32
      %get3A_313 = arith.index_cast %get3A_312 : i32 to index
      %get3A_314 = arith.index_cast %mul3A_228 : i32 to index
      %get3A_315 = tpu.vector_load %arg9[%get3A_313, %get3A_314] {strides = array<i32>} : memref<25x1024xf32, #tpu.memory_space<vmem>>, vector<16xf32>,
      %mul3A_316 = arith.mulf %get3A_315, %gather3A_59 : vector<16xf32>
      %add3A_317 = arith.addf %add3A_311, %mul3A_316 : vector<16xf32>
      %get3A_318 = arith.constant 15 : i32
      %get3A_319 = arith.index_cast %get3A_318 : i32 to index
      %get3A_320 = arith.index_cast %mul3A_228 : i32 to index
      %get3A_321 = tpu.vector_load %arg9[%get3A_319, %get3A_320] {strides = array<i32>} : memref<25x1024xf32, #tpu.memory_space<vmem>>, vector<16xf32>,
      %mul3A_322 = arith.mulf %get3A_321, %gather3A_63 : vector<16xf32>
      %add3A_323 = arith.addf %add3A_317, %mul3A_322 : vector<16xf32>
      %get3A_324 = arith.constant 16 : i32
      %get3A_325 = arith.index_cast %get3A_324 : i32 to index
      %get3A_326 = arith.index_cast %mul3A_228 : i32 to index
      %get3A_327 = tpu.vector_load %arg9[%get3A_325, %get3A_326] {strides = array<i32>} : memref<25x1024xf32, #tpu.memory_space<vmem>>, vector<16xf32>,
      %mul3A_328 = arith.mulf %get3A_327, %gather3A_67 : vector<16xf32>
      %add3A_329 = arith.addf %add3A_323, %mul3A_328 : vector<16xf32>
      %get3A_330 = arith.constant 17 : i32
      %get3A_331 = arith.index_cast %get3A_330 : i32 to index
      %get3A_332 = arith.index_cast %mul3A_228 : i32 to index
      %get3A_333 = tpu.vector_load %arg9[%get3A_331, %get3A_332] {strides = array<i32>} : memref<25x1024xf32, #tpu.memory_space<vmem>>, vector<16xf32>,
      %mul3A_334 = arith.mulf %get3A_333, %gather3A_71 : vector<16xf32>
      %add3A_335 = arith.addf %add3A_329, %mul3A_334 : vector<16xf32>
      %get3A_336 = arith.constant 18 : i32
      %get3A_337 = arith.index_cast %get3A_336 : i32 to index
      %get3A_338 = arith.index_cast %mul3A_228 : i32 to index
      %get3A_339 = tpu.vector_load %arg9[%get3A_337, %get3A_338] {strides = array<i32>} : memref<25x1024xf32, #tpu.memory_space<vmem>>, vector<16xf32>,
      %mul3A_340 = arith.mulf %get3A_339, %gather3A_75 : vector<16xf32>
      %add3A_341 = arith.addf %add3A_335, %mul3A_340 : vector<16xf32>
      %get3A_342 = arith.constant 19 : i32
      %get3A_343 = arith.index_cast %get3A_342 : i32 to index
      %get3A_344 = arith.index_cast %mul3A_228 : i32 to index
      %get3A_345 = tpu.vector_load %arg9[%get3A_343, %get3A_344] {strides = array<i32>} : memref<25x1024xf32, #tpu.memory_space<vmem>>, vector<16xf32>,
      %mul3A_346 = arith.mulf %get3A_345, %gather3A_79 : vector<16xf32>
      %add3A_347 = arith.addf %add3A_341, %mul3A_346 : vector<16xf32>
      %get3A_348 = arith.constant 20 : i32
      %get3A_349 = arith.index_cast %get3A_348 : i32 to index
      %get3A_350 = arith.index_cast %mul3A_228 : i32 to index
      %get3A_351 = tpu.vector_load %arg9[%get3A_349, %get3A_350] {strides = array<i32>} : memref<25x1024xf32, #tpu.memory_space<vmem>>, vector<16xf32>,
      %mul3A_352 = arith.mulf %get3A_351, %gather3A_83 : vector<16xf32>
      %add3A_353 = arith.addf %add3A_347, %mul3A_352 : vector<16xf32>
      %get3A_354 = arith.constant 21 : i32
      %get3A_355 = arith.index_cast %get3A_354 : i32 to index
      %get3A_356 = arith.index_cast %mul3A_228 : i32 to index
      %get3A_357 = tpu.vector_load %arg9[%get3A_355, %get3A_356] {strides = array<i32>} : memref<25x1024xf32, #tpu.memory_space<vmem>>, vector<16xf32>,
      %mul3A_358 = arith.mulf %get3A_357, %gather3A_87 : vector<16xf32>
      %add3A_359 = arith.addf %add3A_353, %mul3A_358 : vector<16xf32>
      %get3A_360 = arith.constant 22 : i32
      %get3A_361 = arith.index_cast %get3A_360 : i32 to index
      %get3A_362 = arith.index_cast %mul3A_228 : i32 to index
      %get3A_363 = tpu.vector_load %arg9[%get3A_361, %get3A_362] {strides = array<i32>} : memref<25x1024xf32, #tpu.memory_space<vmem>>, vector<16xf32>,
      %mul3A_364 = arith.mulf %get3A_363, %gather3A_91 : vector<16xf32>
      %add3A_365 = arith.addf %add3A_359, %mul3A_364 : vector<16xf32>
      %get3A_366 = arith.constant 23 : i32
      %get3A_367 = arith.index_cast %get3A_366 : i32 to index
      %get3A_368 = arith.index_cast %mul3A_228 : i32 to index
      %get3A_369 = tpu.vector_load %arg9[%get3A_367, %get3A_368] {strides = array<i32>} : memref<25x1024xf32, #tpu.memory_space<vmem>>, vector<16xf32>,
      %mul3A_370 = arith.mulf %get3A_369, %gather3A_95 : vector<16xf32>
      %add3A_371 = arith.addf %add3A_365, %mul3A_370 : vector<16xf32>
      %get3A_372 = arith.constant 24 : i32
      %get3A_373 = arith.index_cast %get3A_372 : i32 to index
      %get3A_374 = arith.index_cast %mul3A_228 : i32 to index
      %get3A_375 = tpu.vector_load %arg9[%get3A_373, %get3A_374] {strides = array<i32>} : memref<25x1024xf32, #tpu.memory_space<vmem>>, vector<16xf32>,
      %mul3A_376 = arith.mulf %get3A_375, %gather3A_99 : vector<16xf32>
      %add3A_377 = arith.addf %add3A_371, %mul3A_376 : vector<16xf32>
      %mul3A_378 = arith.constant 16 : i32
      %mul3A_379 = arith.muli %scan3A_226, %mul3A_378 : i32
      %add3A_380 = arith.constant 1024 : i32
      %add3A_381 = arith.addi %add3A_380, %mul3A_379 : i32
      %abs3A_382 = math.absf %gather3A_233 : vector<16xf32>
      %swap3A = arith.constant 0 : i32
      %swap3A_383 = arith.index_cast %swap3A : i32 to index
      %swap3A_384 = arith.index_cast %add3A_381 : i32 to index
      %swap3A_385 = tpu.vector_load %arg10[%swap3A_383, %swap3A_384] {strides = array<i32>} : memref<3x3328xf32, #tpu.memory_space<vmem>>, vector<16xf32>,
      tpu.vector_store %arg10[%swap3A_383, %swap3A_384], %abs3A_382 {strides = array<i32>} : memref<3x3328xf32, #tpu.memory_space<vmem>>, vector<16xf32>,
      %abs3A_386 = math.absf %add3A_281 : vector<16xf32>
      %swap3A_387 = arith.constant 1 : i32
      %swap3A_388 = arith.index_cast %swap3A_387 : i32 to index
      %swap3A_389 = arith.index_cast %add3A_381 : i32 to index
      %swap3A_390 = tpu.vector_load %arg10[%swap3A_388, %swap3A_389] {strides = array<i32>} : memref<3x3328xf32, #tpu.memory_space<vmem>>, vector<16xf32>,
      tpu.vector_store %arg10[%swap3A_388, %swap3A_389], %abs3A_386 {strides = array<i32>} : memref<3x3328xf32, #tpu.memory_space<vmem>>, vector<16xf32>,
      %abs3A_391 = math.absf %add3A_377 : vector<16xf32>
      %swap3A_392 = arith.constant 2 : i32
      %swap3A_393 = arith.index_cast %swap3A_392 : i32 to index
      %swap3A_394 = arith.index_cast %add3A_381 : i32 to index
      %swap3A_395 = tpu.vector_load %arg10[%swap3A_393, %swap3A_394] {strides = array<i32>} : memref<3x3328xf32, #tpu.memory_space<vmem>>, vector<16xf32>,
      tpu.vector_store %arg10[%swap3A_393, %swap3A_394], %abs3A_391 {strides = array<i32>} : memref<3x3328xf32, #tpu.memory_space<vmem>>, vector<16xf32>,
    }
    %scan3A_178 = arith.constant 48 : i32
    %add3A_179 = arith.constant 2560 : i32
    %add3A_180 = arith.addi %mul3A_113, %add3A_179 : i32
    %dma_start3A_181 = arith.constant 0 : i32
    %dma_start3A_182 = arith.constant 0 : i32
    %dma_start3A_183 = tpu.memref_slice %arg9[%dma_start3A_181, %dma_start3A_182] : memref<25x1024xf32, #tpu.memory_space<vmem>> -> memref<25x768xf32, #tpu.memory_space<vmem>>
    %dma_start3A_184 = arith.constant 0 : i32
    %dma_start3A_185 = tpu.memref_slice %arg2[%dma_start3A_184, %add3A_180] : memref<25x100000xf32, #tpu.memory_space<hbm>> -> memref<25x768xf32, #tpu.memory_space<hbm>>
    %dma_start3A_186 = arith.constant 0 : i32
    %dma_start3A_187 = arith.constant 0 : i32
    %dma_start3A_188 = tpu.memref_slice %arg9[%dma_start3A_186, %dma_start3A_187] : memref<25x1024xf32, #tpu.memory_space<vmem>> -> memref<25x768xf32, #tpu.memory_space<vmem>>
    %dma_start3A_189 = arith.constant 0 : i32
    %dma_start3A_190 = tpu.memref_slice %arg2[%dma_start3A_189, %add3A_180] : memref<25x100000xf32, #tpu.memory_space<hbm>> -> memref<25x768xf32, #tpu.memory_space<hbm>>
    tpu.enqueue_dma source(%dma_start3A_190 : memref<25x768xf32, #tpu.memory_space<hbm>>) target(%dma_start3A_188 : memref<25x768xf32, #tpu.memory_space<vmem>>) target_semaphore(%arg16 : memref<!tpu.dma_semaphore, #tpu.memory_space<semaphore_mem>>)
    %dma_wait3A_191 = arith.constant 0 : i32
    %dma_wait3A_192 = arith.constant 0 : i32
    %dma_wait3A_193 = tpu.memref_slice %arg8[%dma_wait3A_191, %dma_wait3A_192] : memref<25x1024xf32, #tpu.memory_space<vmem>> -> memref<25x768xf32, #tpu.memory_space<vmem>>
    %dma_wait3A_194 = arith.constant 0 : i32
    %dma_wait3A_195 = tpu.memref_slice %arg2[%dma_wait3A_194, %add3A_152] : memref<25x100000xf32, #tpu.memory_space<hbm>> -> memref<25x768xf32, #tpu.memory_space<hbm>>
    %dma_wait3A_196 = arith.constant 0 : i32
    %dma_wait3A_197 = arith.constant 0 : i32
    %dma_wait3A_198 = tpu.memref_slice %arg8[%dma_wait3A_196, %dma_wait3A_197] : memref<25x1024xf32, #tpu.memory_space<vmem>> -> memref<25x768xf32, #tpu.memory_space<vmem>>
    %dma_wait3A_199 = arith.constant 0 : i32
    %dma_wait3A_200 = tpu.memref_slice %arg2[%dma_wait3A_199, %add3A_152] : memref<25x100000xf32, #tpu.memory_space<hbm>> -> memref<25x768xf32, #tpu.memory_space<hbm>>
    tpu.wait_dma2 semaphore(%arg15 : memref<!tpu.dma_semaphore, #tpu.memory_space<semaphore_mem>>) src(%dma_wait3A_200 : memref<25x768xf32, #tpu.memory_space<hbm>>) dst(%dma_wait3A_198 : memref<25x768xf32, #tpu.memory_space<vmem>>)
    %scan3A_201 = arith.constant 0 : i32
    %scan3A_202 = arith.constant 0 : i32
    %scan3A_203 = arith.constant 48 : i32
    %scan3A_204 = arith.addi %scan3A_202, %scan3A_203 : i32
    %scan3A_205 = arith.constant 1 : i32
    scf.for %scan3A_226 = %scan3A_202 to %scan3A_204 step %scan3A_205  : i32 {
      %mul3A_227 = arith.constant 16 : i32
      %mul3A_228 = arith.muli %scan3A_226, %mul3A_227 : i32
      %get3A = arith.constant 0 : i32
      %get3A_229 = arith.index_cast %get3A : i32 to index
      %get3A_230 = arith.index_cast %mul3A_228 : i32 to index
      %get3A_231 = tpu.vector_load %arg8[%get3A_229, %get3A_230] {strides = array<i32>} : memref<25x1024xf32, #tpu.memory_space<vmem>>, vector<16xf32>,
      %convert_element_type3A_232 = arith.fptosi %get3A_231 : vector<16xf32> to vector<16xi32>
      %gather3A_233 = tpu.vector_load_idx %arg13[%convert_element_type3A_232] : memref<1000xf32, #tpu.memory_space<vmem>>[vector<16xi32>], vector<16xf32>,
      %get3A_234 = arith.constant 1 : i32
      %get3A_235 = arith.index_cast %get3A_234 : i32 to index
      %get3A_236 = arith.index_cast %mul3A_228 : i32 to index
      %get3A_237 = tpu.vector_load %arg8[%get3A_235, %get3A_236] {strides = array<i32>} : memref<25x1024xf32, #tpu.memory_space<vmem>>, vector<16xf32>,
      %mul3A_238 = arith.mulf %get3A_237, %gather3A_7 : vector<16xf32>
      %add3A_239 = arith.addf %gather3A_103, %mul3A_238 : vector<16xf32>
      %get3A_240 = arith.constant 2 : i32
      %get3A_241 = arith.index_cast %get3A_240 : i32 to index
      %get3A_242 = arith.index_cast %mul3A_228 : i32 to index
      %get3A_243 = tpu.vector_load %arg8[%get3A_241, %get3A_242] {strides = array<i32>} : memref<25x1024xf32, #tpu.memory_space<vmem>>, vector<16xf32>,
      %mul3A_244 = arith.mulf %get3A_243, %gather3A_11 : vector<16xf32>
      %add3A_245 = arith.addf %add3A_239, %mul3A_244 : vector<16xf32>
      %get3A_246 = arith.constant 3 : i32
      %get3A_247 = arith.index_cast %get3A_246 : i32 to index
      %get3A_248 = arith.index_cast %mul3A_228 : i32 to index
      %get3A_249 = tpu.vector_load %arg8[%get3A_247, %get3A_248] {strides = array<i32>} : memref<25x1024xf32, #tpu.memory_space<vmem>>, vector<16xf32>,
      %mul3A_250 = arith.mulf %get3A_249, %gather3A_15 : vector<16xf32>
      %add3A_251 = arith.addf %add3A_245, %mul3A_250 : vector<16xf32>
      %get3A_252 = arith.constant 4 : i32
      %get3A_253 = arith.index_cast %get3A_252 : i32 to index
      %get3A_254 = arith.index_cast %mul3A_228 : i32 to index
      %get3A_255 = tpu.vector_load %arg8[%get3A_253, %get3A_254] {strides = array<i32>} : memref<25x1024xf32, #tpu.memory_space<vmem>>, vector<16xf32>,
      %mul3A_256 = arith.mulf %get3A_255, %gather3A_19 : vector<16xf32>
      %add3A_257 = arith.addf %add3A_251, %mul3A_256 : vector<16xf32>
      %get3A_258 = arith.constant 5 : i32
      %get3A_259 = arith.index_cast %get3A_258 : i32 to index
      %get3A_260 = arith.index_cast %mul3A_228 : i32 to index
      %get3A_261 = tpu.vector_load %arg8[%get3A_259, %get3A_260] {strides = array<i32>} : memref<25x1024xf32, #tpu.memory_space<vmem>>, vector<16xf32>,
      %mul3A_262 = arith.mulf %get3A_261, %gather3A_23 : vector<16xf32>
      %add3A_263 = arith.addf %add3A_257, %mul3A_262 : vector<16xf32>
      %get3A_264 = arith.constant 6 : i32
      %get3A_265 = arith.index_cast %get3A_264 : i32 to index
      %get3A_266 = arith.index_cast %mul3A_228 : i32 to index
      %get3A_267 = tpu.vector_load %arg8[%get3A_265, %get3A_266] {strides = array<i32>} : memref<25x1024xf32, #tpu.memory_space<vmem>>, vector<16xf32>,
      %mul3A_268 = arith.mulf %get3A_267, %gather3A_27 : vector<16xf32>
      %add3A_269 = arith.addf %add3A_263, %mul3A_268 : vector<16xf32>
      %get3A_270 = arith.constant 7 : i32
      %get3A_271 = arith.index_cast %get3A_270 : i32 to index
      %get3A_272 = arith.index_cast %mul3A_228 : i32 to index
      %get3A_273 = tpu.vector_load %arg8[%get3A_271, %get3A_272] {strides = array<i32>} : memref<25x1024xf32, #tpu.memory_space<vmem>>, vector<16xf32>,
      %mul3A_274 = arith.mulf %get3A_273, %gather3A_31 : vector<16xf32>
      %add3A_275 = arith.addf %add3A_269, %mul3A_274 : vector<16xf32>
      %get3A_276 = arith.constant 8 : i32
      %get3A_277 = arith.index_cast %get3A_276 : i32 to index
      %get3A_278 = arith.index_cast %mul3A_228 : i32 to index
      %get3A_279 = tpu.vector_load %arg8[%get3A_277, %get3A_278] {strides = array<i32>} : memref<25x1024xf32, #tpu.memory_space<vmem>>, vector<16xf32>,
      %mul3A_280 = arith.mulf %get3A_279, %gather3A_35 : vector<16xf32>
      %add3A_281 = arith.addf %add3A_275, %mul3A_280 : vector<16xf32>
      %get3A_282 = arith.constant 9 : i32
      %get3A_283 = arith.index_cast %get3A_282 : i32 to index
      %get3A_284 = arith.index_cast %mul3A_228 : i32 to index
      %get3A_285 = tpu.vector_load %arg8[%get3A_283, %get3A_284] {strides = array<i32>} : memref<25x1024xf32, #tpu.memory_space<vmem>>, vector<16xf32>,
      %mul3A_286 = arith.mulf %get3A_285, %gather3A_39 : vector<16xf32>
      %add3A_287 = arith.addf %gather3A_107, %mul3A_286 : vector<16xf32>
      %get3A_288 = arith.constant 10 : i32
      %get3A_289 = arith.index_cast %get3A_288 : i32 to index
      %get3A_290 = arith.index_cast %mul3A_228 : i32 to index
      %get3A_291 = tpu.vector_load %arg8[%get3A_289, %get3A_290] {strides = array<i32>} : memref<25x1024xf32, #tpu.memory_space<vmem>>, vector<16xf32>,
      %mul3A_292 = arith.mulf %get3A_291, %gather3A_43 : vector<16xf32>
      %add3A_293 = arith.addf %add3A_287, %mul3A_292 : vector<16xf32>
      %get3A_294 = arith.constant 11 : i32
      %get3A_295 = arith.index_cast %get3A_294 : i32 to index
      %get3A_296 = arith.index_cast %mul3A_228 : i32 to index
      %get3A_297 = tpu.vector_load %arg8[%get3A_295, %get3A_296] {strides = array<i32>} : memref<25x1024xf32, #tpu.memory_space<vmem>>, vector<16xf32>,
      %mul3A_298 = arith.mulf %get3A_297, %gather3A_47 : vector<16xf32>
      %add3A_299 = arith.addf %add3A_293, %mul3A_298 : vector<16xf32>
      %get3A_300 = arith.constant 12 : i32
      %get3A_301 = arith.index_cast %get3A_300 : i32 to index
      %get3A_302 = arith.index_cast %mul3A_228 : i32 to index
      %get3A_303 = tpu.vector_load %arg8[%get3A_301, %get3A_302] {strides = array<i32>} : memref<25x1024xf32, #tpu.memory_space<vmem>>, vector<16xf32>,
      %mul3A_304 = arith.mulf %get3A_303, %gather3A_51 : vector<16xf32>
      %add3A_305 = arith.addf %add3A_299, %mul3A_304 : vector<16xf32>
      %get3A_306 = arith.constant 13 : i32
      %get3A_307 = arith.index_cast %get3A_306 : i32 to index
      %get3A_308 = arith.index_cast %mul3A_228 : i32 to index
      %get3A_309 = tpu.vector_load %arg8[%get3A_307, %get3A_308] {strides = array<i32>} : memref<25x1024xf32, #tpu.memory_space<vmem>>, vector<16xf32>,
      %mul3A_310 = arith.mulf %get3A_309, %gather3A_55 : vector<16xf32>
      %add3A_311 = arith.addf %add3A_305, %mul3A_310 : vector<16xf32>
      %get3A_312 = arith.constant 14 : i32
      %get3A_313 = arith.index_cast %get3A_312 : i32 to index
      %get3A_314 = arith.index_cast %mul3A_228 : i32 to index
      %get3A_315 = tpu.vector_load %arg8[%get3A_313, %get3A_314] {strides = array<i32>} : memref<25x1024xf32, #tpu.memory_space<vmem>>, vector<16xf32>,
      %mul3A_316 = arith.mulf %get3A_315, %gather3A_59 : vector<16xf32>
      %add3A_317 = arith.addf %add3A_311, %mul3A_316 : vector<16xf32>
      %get3A_318 = arith.constant 15 : i32
      %get3A_319 = arith.index_cast %get3A_318 : i32 to index
      %get3A_320 = arith.index_cast %mul3A_228 : i32 to index
      %get3A_321 = tpu.vector_load %arg8[%get3A_319, %get3A_320] {strides = array<i32>} : memref<25x1024xf32, #tpu.memory_space<vmem>>, vector<16xf32>,
      %mul3A_322 = arith.mulf %get3A_321, %gather3A_63 : vector<16xf32>
      %add3A_323 = arith.addf %add3A_317, %mul3A_322 : vector<16xf32>
      %get3A_324 = arith.constant 16 : i32
      %get3A_325 = arith.index_cast %get3A_324 : i32 to index
      %get3A_326 = arith.index_cast %mul3A_228 : i32 to index
      %get3A_327 = tpu.vector_load %arg8[%get3A_325, %get3A_326] {strides = array<i32>} : memref<25x1024xf32, #tpu.memory_space<vmem>>, vector<16xf32>,
      %mul3A_328 = arith.mulf %get3A_327, %gather3A_67 : vector<16xf32>
      %add3A_329 = arith.addf %add3A_323, %mul3A_328 : vector<16xf32>
      %get3A_330 = arith.constant 17 : i32
      %get3A_331 = arith.index_cast %get3A_330 : i32 to index
      %get3A_332 = arith.index_cast %mul3A_228 : i32 to index
      %get3A_333 = tpu.vector_load %arg8[%get3A_331, %get3A_332] {strides = array<i32>} : memref<25x1024xf32, #tpu.memory_space<vmem>>, vector<16xf32>,
      %mul3A_334 = arith.mulf %get3A_333, %gather3A_71 : vector<16xf32>
      %add3A_335 = arith.addf %add3A_329, %mul3A_334 : vector<16xf32>
      %get3A_336 = arith.constant 18 : i32
      %get3A_337 = arith.index_cast %get3A_336 : i32 to index
      %get3A_338 = arith.index_cast %mul3A_228 : i32 to index
      %get3A_339 = tpu.vector_load %arg8[%get3A_337, %get3A_338] {strides = array<i32>} : memref<25x1024xf32, #tpu.memory_space<vmem>>, vector<16xf32>,
      %mul3A_340 = arith.mulf %get3A_339, %gather3A_75 : vector<16xf32>
      %add3A_341 = arith.addf %add3A_335, %mul3A_340 : vector<16xf32>
      %get3A_342 = arith.constant 19 : i32
      %get3A_343 = arith.index_cast %get3A_342 : i32 to index
      %get3A_344 = arith.index_cast %mul3A_228 : i32 to index
      %get3A_345 = tpu.vector_load %arg8[%get3A_343, %get3A_344] {strides = array<i32>} : memref<25x1024xf32, #tpu.memory_space<vmem>>, vector<16xf32>,
      %mul3A_346 = arith.mulf %get3A_345, %gather3A_79 : vector<16xf32>
      %add3A_347 = arith.addf %add3A_341, %mul3A_346 : vector<16xf32>
      %get3A_348 = arith.constant 20 : i32
      %get3A_349 = arith.index_cast %get3A_348 : i32 to index
      %get3A_350 = arith.index_cast %mul3A_228 : i32 to index
      %get3A_351 = tpu.vector_load %arg8[%get3A_349, %get3A_350] {strides = array<i32>} : memref<25x1024xf32, #tpu.memory_space<vmem>>, vector<16xf32>,
      %mul3A_352 = arith.mulf %get3A_351, %gather3A_83 : vector<16xf32>
      %add3A_353 = arith.addf %add3A_347, %mul3A_352 : vector<16xf32>
      %get3A_354 = arith.constant 21 : i32
      %get3A_355 = arith.index_cast %get3A_354 : i32 to index
      %get3A_356 = arith.index_cast %mul3A_228 : i32 to index
      %get3A_357 = tpu.vector_load %arg8[%get3A_355, %get3A_356] {strides = array<i32>} : memref<25x1024xf32, #tpu.memory_space<vmem>>, vector<16xf32>,
      %mul3A_358 = arith.mulf %get3A_357, %gather3A_87 : vector<16xf32>
      %add3A_359 = arith.addf %add3A_353, %mul3A_358 : vector<16xf32>
      %get3A_360 = arith.constant 22 : i32
      %get3A_361 = arith.index_cast %get3A_360 : i32 to index
      %get3A_362 = arith.index_cast %mul3A_228 : i32 to index
      %get3A_363 = tpu.vector_load %arg8[%get3A_361, %get3A_362] {strides = array<i32>} : memref<25x1024xf32, #tpu.memory_space<vmem>>, vector<16xf32>,
      %mul3A_364 = arith.mulf %get3A_363, %gather3A_91 : vector<16xf32>
      %add3A_365 = arith.addf %add3A_359, %mul3A_364 : vector<16xf32>
      %get3A_366 = arith.constant 23 : i32
      %get3A_367 = arith.index_cast %get3A_366 : i32 to index
      %get3A_368 = arith.index_cast %mul3A_228 : i32 to index
      %get3A_369 = tpu.vector_load %arg8[%get3A_367, %get3A_368] {strides = array<i32>} : memref<25x1024xf32, #tpu.memory_space<vmem>>, vector<16xf32>,
      %mul3A_370 = arith.mulf %get3A_369, %gather3A_95 : vector<16xf32>
      %add3A_371 = arith.addf %add3A_365, %mul3A_370 : vector<16xf32>
      %get3A_372 = arith.constant 24 : i32
      %get3A_373 = arith.index_cast %get3A_372 : i32 to index
      %get3A_374 = arith.index_cast %mul3A_228 : i32 to index
      %get3A_375 = tpu.vector_load %arg8[%get3A_373, %get3A_374] {strides = array<i32>} : memref<25x1024xf32, #tpu.memory_space<vmem>>, vector<16xf32>,
      %mul3A_376 = arith.mulf %get3A_375, %gather3A_99 : vector<16xf32>
      %add3A_377 = arith.addf %add3A_371, %mul3A_376 : vector<16xf32>
      %mul3A_378 = arith.constant 16 : i32
      %mul3A_379 = arith.muli %scan3A_226, %mul3A_378 : i32
      %add3A_380 = arith.constant 1792 : i32
      %add3A_381 = arith.addi %add3A_380, %mul3A_379 : i32
      %abs3A_382 = math.absf %gather3A_233 : vector<16xf32>
      %swap3A = arith.constant 0 : i32
      %swap3A_383 = arith.index_cast %swap3A : i32 to index
      %swap3A_384 = arith.index_cast %add3A_381 : i32 to index
      %swap3A_385 = tpu.vector_load %arg10[%swap3A_383, %swap3A_384] {strides = array<i32>} : memref<3x3328xf32, #tpu.memory_space<vmem>>, vector<16xf32>,
      tpu.vector_store %arg10[%swap3A_383, %swap3A_384], %abs3A_382 {strides = array<i32>} : memref<3x3328xf32, #tpu.memory_space<vmem>>, vector<16xf32>,
      %abs3A_386 = math.absf %add3A_281 : vector<16xf32>
      %swap3A_387 = arith.constant 1 : i32
      %swap3A_388 = arith.index_cast %swap3A_387 : i32 to index
      %swap3A_389 = arith.index_cast %add3A_381 : i32 to index
      %swap3A_390 = tpu.vector_load %arg10[%swap3A_388, %swap3A_389] {strides = array<i32>} : memref<3x3328xf32, #tpu.memory_space<vmem>>, vector<16xf32>,
      tpu.vector_store %arg10[%swap3A_388, %swap3A_389], %abs3A_386 {strides = array<i32>} : memref<3x3328xf32, #tpu.memory_space<vmem>>, vector<16xf32>,
      %abs3A_391 = math.absf %add3A_377 : vector<16xf32>
      %swap3A_392 = arith.constant 2 : i32
      %swap3A_393 = arith.index_cast %swap3A_392 : i32 to index
      %swap3A_394 = arith.index_cast %add3A_381 : i32 to index
      %swap3A_395 = tpu.vector_load %arg10[%swap3A_393, %swap3A_394] {strides = array<i32>} : memref<3x3328xf32, #tpu.memory_space<vmem>>, vector<16xf32>,
      tpu.vector_store %arg10[%swap3A_393, %swap3A_394], %abs3A_391 {strides = array<i32>} : memref<3x3328xf32, #tpu.memory_space<vmem>>, vector<16xf32>,
    }
    %scan3A_206 = arith.constant 48 : i32
    %dma_wait3A_207 = arith.constant 0 : i32
    %dma_wait3A_208 = arith.constant 0 : i32
    %dma_wait3A_209 = tpu.memref_slice %arg9[%dma_wait3A_207, %dma_wait3A_208] : memref<25x1024xf32, #tpu.memory_space<vmem>> -> memref<25x768xf32, #tpu.memory_space<vmem>>
    %dma_wait3A_210 = arith.constant 0 : i32
    %dma_wait3A_211 = tpu.memref_slice %arg2[%dma_wait3A_210, %add3A_180] : memref<25x100000xf32, #tpu.memory_space<hbm>> -> memref<25x768xf32, #tpu.memory_space<hbm>>
    %dma_wait3A_212 = arith.constant 0 : i32
    %dma_wait3A_213 = arith.constant 0 : i32
    %dma_wait3A_214 = tpu.memref_slice %arg9[%dma_wait3A_212, %dma_wait3A_213] : memref<25x1024xf32, #tpu.memory_space<vmem>> -> memref<25x768xf32, #tpu.memory_space<vmem>>
    %dma_wait3A_215 = arith.constant 0 : i32
    %dma_wait3A_216 = tpu.memref_slice %arg2[%dma_wait3A_215, %add3A_180] : memref<25x100000xf32, #tpu.memory_space<hbm>> -> memref<25x768xf32, #tpu.memory_space<hbm>>
    tpu.wait_dma2 semaphore(%arg16 : memref<!tpu.dma_semaphore, #tpu.memory_space<semaphore_mem>>) src(%dma_wait3A_216 : memref<25x768xf32, #tpu.memory_space<hbm>>) dst(%dma_wait3A_214 : memref<25x768xf32, #tpu.memory_space<vmem>>)
    %scan3A_217 = arith.constant 0 : i32
    %scan3A_218 = arith.constant 0 : i32
    %scan3A_219 = arith.constant 48 : i32
    %scan3A_220 = arith.addi %scan3A_218, %scan3A_219 : i32
    %scan3A_221 = arith.constant 1 : i32
    scf.for %scan3A_226 = %scan3A_218 to %scan3A_220 step %scan3A_221  : i32 {
      %mul3A_227 = arith.constant 16 : i32
      %mul3A_228 = arith.muli %scan3A_226, %mul3A_227 : i32
      %get3A = arith.constant 0 : i32
      %get3A_229 = arith.index_cast %get3A : i32 to index
      %get3A_230 = arith.index_cast %mul3A_228 : i32 to index
      %get3A_231 = tpu.vector_load %arg9[%get3A_229, %get3A_230] {strides = array<i32>} : memref<25x1024xf32, #tpu.memory_space<vmem>>, vector<16xf32>,
      %convert_element_type3A_232 = arith.fptosi %get3A_231 : vector<16xf32> to vector<16xi32>
      %gather3A_233 = tpu.vector_load_idx %arg13[%convert_element_type3A_232] : memref<1000xf32, #tpu.memory_space<vmem>>[vector<16xi32>], vector<16xf32>,
      %get3A_234 = arith.constant 1 : i32
      %get3A_235 = arith.index_cast %get3A_234 : i32 to index
      %get3A_236 = arith.index_cast %mul3A_228 : i32 to index
      %get3A_237 = tpu.vector_load %arg9[%get3A_235, %get3A_236] {strides = array<i32>} : memref<25x1024xf32, #tpu.memory_space<vmem>>, vector<16xf32>,
      %mul3A_238 = arith.mulf %get3A_237, %gather3A_7 : vector<16xf32>
      %add3A_239 = arith.addf %gather3A_103, %mul3A_238 : vector<16xf32>
      %get3A_240 = arith.constant 2 : i32
      %get3A_241 = arith.index_cast %get3A_240 : i32 to index
      %get3A_242 = arith.index_cast %mul3A_228 : i32 to index
      %get3A_243 = tpu.vector_load %arg9[%get3A_241, %get3A_242] {strides = array<i32>} : memref<25x1024xf32, #tpu.memory_space<vmem>>, vector<16xf32>,
      %mul3A_244 = arith.mulf %get3A_243, %gather3A_11 : vector<16xf32>
      %add3A_245 = arith.addf %add3A_239, %mul3A_244 : vector<16xf32>
      %get3A_246 = arith.constant 3 : i32
      %get3A_247 = arith.index_cast %get3A_246 : i32 to index
      %get3A_248 = arith.index_cast %mul3A_228 : i32 to index
      %get3A_249 = tpu.vector_load %arg9[%get3A_247, %get3A_248] {strides = array<i32>} : memref<25x1024xf32, #tpu.memory_space<vmem>>, vector<16xf32>,
      %mul3A_250 = arith.mulf %get3A_249, %gather3A_15 : vector<16xf32>
      %add3A_251 = arith.addf %add3A_245, %mul3A_250 : vector<16xf32>
      %get3A_252 = arith.constant 4 : i32
      %get3A_253 = arith.index_cast %get3A_252 : i32 to index
      %get3A_254 = arith.index_cast %mul3A_228 : i32 to index
      %get3A_255 = tpu.vector_load %arg9[%get3A_253, %get3A_254] {strides = array<i32>} : memref<25x1024xf32, #tpu.memory_space<vmem>>, vector<16xf32>,
      %mul3A_256 = arith.mulf %get3A_255, %gather3A_19 : vector<16xf32>
      %add3A_257 = arith.addf %add3A_251, %mul3A_256 : vector<16xf32>
      %get3A_258 = arith.constant 5 : i32
      %get3A_259 = arith.index_cast %get3A_258 : i32 to index
      %get3A_260 = arith.index_cast %mul3A_228 : i32 to index
      %get3A_261 = tpu.vector_load %arg9[%get3A_259, %get3A_260] {strides = array<i32>} : memref<25x1024xf32, #tpu.memory_space<vmem>>, vector<16xf32>,
      %mul3A_262 = arith.mulf %get3A_261, %gather3A_23 : vector<16xf32>
      %add3A_263 = arith.addf %add3A_257, %mul3A_262 : vector<16xf32>
      %get3A_264 = arith.constant 6 : i32
      %get3A_265 = arith.index_cast %get3A_264 : i32 to index
      %get3A_266 = arith.index_cast %mul3A_228 : i32 to index
      %get3A_267 = tpu.vector_load %arg9[%get3A_265, %get3A_266] {strides = array<i32>} : memref<25x1024xf32, #tpu.memory_space<vmem>>, vector<16xf32>,
      %mul3A_268 = arith.mulf %get3A_267, %gather3A_27 : vector<16xf32>
      %add3A_269 = arith.addf %add3A_263, %mul3A_268 : vector<16xf32>
      %get3A_270 = arith.constant 7 : i32
      %get3A_271 = arith.index_cast %get3A_270 : i32 to index
      %get3A_272 = arith.index_cast %mul3A_228 : i32 to index
      %get3A_273 = tpu.vector_load %arg9[%get3A_271, %get3A_272] {strides = array<i32>} : memref<25x1024xf32, #tpu.memory_space<vmem>>, vector<16xf32>,
      %mul3A_274 = arith.mulf %get3A_273, %gather3A_31 : vector<16xf32>
      %add3A_275 = arith.addf %add3A_269, %mul3A_274 : vector<16xf32>
      %get3A_276 = arith.constant 8 : i32
      %get3A_277 = arith.index_cast %get3A_276 : i32 to index
      %get3A_278 = arith.index_cast %mul3A_228 : i32 to index
      %get3A_279 = tpu.vector_load %arg9[%get3A_277, %get3A_278] {strides = array<i32>} : memref<25x1024xf32, #tpu.memory_space<vmem>>, vector<16xf32>,
      %mul3A_280 = arith.mulf %get3A_279, %gather3A_35 : vector<16xf32>
      %add3A_281 = arith.addf %add3A_275, %mul3A_280 : vector<16xf32>
      %get3A_282 = arith.constant 9 : i32
      %get3A_283 = arith.index_cast %get3A_282 : i32 to index
      %get3A_284 = arith.index_cast %mul3A_228 : i32 to index
      %get3A_285 = tpu.vector_load %arg9[%get3A_283, %get3A_284] {strides = array<i32>} : memref<25x1024xf32, #tpu.memory_space<vmem>>, vector<16xf32>,
      %mul3A_286 = arith.mulf %get3A_285, %gather3A_39 : vector<16xf32>
      %add3A_287 = arith.addf %gather3A_107, %mul3A_286 : vector<16xf32>
      %get3A_288 = arith.constant 10 : i32
      %get3A_289 = arith.index_cast %get3A_288 : i32 to index
      %get3A_290 = arith.index_cast %mul3A_228 : i32 to index
      %get3A_291 = tpu.vector_load %arg9[%get3A_289, %get3A_290] {strides = array<i32>} : memref<25x1024xf32, #tpu.memory_space<vmem>>, vector<16xf32>,
      %mul3A_292 = arith.mulf %get3A_291, %gather3A_43 : vector<16xf32>
      %add3A_293 = arith.addf %add3A_287, %mul3A_292 : vector<16xf32>
      %get3A_294 = arith.constant 11 : i32
      %get3A_295 = arith.index_cast %get3A_294 : i32 to index
      %get3A_296 = arith.index_cast %mul3A_228 : i32 to index
      %get3A_297 = tpu.vector_load %arg9[%get3A_295, %get3A_296] {strides = array<i32>} : memref<25x1024xf32, #tpu.memory_space<vmem>>, vector<16xf32>,
      %mul3A_298 = arith.mulf %get3A_297, %gather3A_47 : vector<16xf32>
      %add3A_299 = arith.addf %add3A_293, %mul3A_298 : vector<16xf32>
      %get3A_300 = arith.constant 12 : i32
      %get3A_301 = arith.index_cast %get3A_300 : i32 to index
      %get3A_302 = arith.index_cast %mul3A_228 : i32 to index
      %get3A_303 = tpu.vector_load %arg9[%get3A_301, %get3A_302] {strides = array<i32>} : memref<25x1024xf32, #tpu.memory_space<vmem>>, vector<16xf32>,
      %mul3A_304 = arith.mulf %get3A_303, %gather3A_51 : vector<16xf32>
      %add3A_305 = arith.addf %add3A_299, %mul3A_304 : vector<16xf32>
      %get3A_306 = arith.constant 13 : i32
      %get3A_307 = arith.index_cast %get3A_306 : i32 to index
      %get3A_308 = arith.index_cast %mul3A_228 : i32 to index
      %get3A_309 = tpu.vector_load %arg9[%get3A_307, %get3A_308] {strides = array<i32>} : memref<25x1024xf32, #tpu.memory_space<vmem>>, vector<16xf32>,
      %mul3A_310 = arith.mulf %get3A_309, %gather3A_55 : vector<16xf32>
      %add3A_311 = arith.addf %add3A_305, %mul3A_310 : vector<16xf32>
      %get3A_312 = arith.constant 14 : i32
      %get3A_313 = arith.index_cast %get3A_312 : i32 to index
      %get3A_314 = arith.index_cast %mul3A_228 : i32 to index
      %get3A_315 = tpu.vector_load %arg9[%get3A_313, %get3A_314] {strides = array<i32>} : memref<25x1024xf32, #tpu.memory_space<vmem>>, vector<16xf32>,
      %mul3A_316 = arith.mulf %get3A_315, %gather3A_59 : vector<16xf32>
      %add3A_317 = arith.addf %add3A_311, %mul3A_316 : vector<16xf32>
      %get3A_318 = arith.constant 15 : i32
      %get3A_319 = arith.index_cast %get3A_318 : i32 to index
      %get3A_320 = arith.index_cast %mul3A_228 : i32 to index
      %get3A_321 = tpu.vector_load %arg9[%get3A_319, %get3A_320] {strides = array<i32>} : memref<25x1024xf32, #tpu.memory_space<vmem>>, vector<16xf32>,
      %mul3A_322 = arith.mulf %get3A_321, %gather3A_63 : vector<16xf32>
      %add3A_323 = arith.addf %add3A_317, %mul3A_322 : vector<16xf32>
      %get3A_324 = arith.constant 16 : i32
      %get3A_325 = arith.index_cast %get3A_324 : i32 to index
      %get3A_326 = arith.index_cast %mul3A_228 : i32 to index
      %get3A_327 = tpu.vector_load %arg9[%get3A_325, %get3A_326] {strides = array<i32>} : memref<25x1024xf32, #tpu.memory_space<vmem>>, vector<16xf32>,
      %mul3A_328 = arith.mulf %get3A_327, %gather3A_67 : vector<16xf32>
      %add3A_329 = arith.addf %add3A_323, %mul3A_328 : vector<16xf32>
      %get3A_330 = arith.constant 17 : i32
      %get3A_331 = arith.index_cast %get3A_330 : i32 to index
      %get3A_332 = arith.index_cast %mul3A_228 : i32 to index
      %get3A_333 = tpu.vector_load %arg9[%get3A_331, %get3A_332] {strides = array<i32>} : memref<25x1024xf32, #tpu.memory_space<vmem>>, vector<16xf32>,
      %mul3A_334 = arith.mulf %get3A_333, %gather3A_71 : vector<16xf32>
      %add3A_335 = arith.addf %add3A_329, %mul3A_334 : vector<16xf32>
      %get3A_336 = arith.constant 18 : i32
      %get3A_337 = arith.index_cast %get3A_336 : i32 to index
      %get3A_338 = arith.index_cast %mul3A_228 : i32 to index
      %get3A_339 = tpu.vector_load %arg9[%get3A_337, %get3A_338] {strides = array<i32>} : memref<25x1024xf32, #tpu.memory_space<vmem>>, vector<16xf32>,
      %mul3A_340 = arith.mulf %get3A_339, %gather3A_75 : vector<16xf32>
      %add3A_341 = arith.addf %add3A_335, %mul3A_340 : vector<16xf32>
      %get3A_342 = arith.constant 19 : i32
      %get3A_343 = arith.index_cast %get3A_342 : i32 to index
      %get3A_344 = arith.index_cast %mul3A_228 : i32 to index
      %get3A_345 = tpu.vector_load %arg9[%get3A_343, %get3A_344] {strides = array<i32>} : memref<25x1024xf32, #tpu.memory_space<vmem>>, vector<16xf32>,
      %mul3A_346 = arith.mulf %get3A_345, %gather3A_79 : vector<16xf32>
      %add3A_347 = arith.addf %add3A_341, %mul3A_346 : vector<16xf32>
      %get3A_348 = arith.constant 20 : i32
      %get3A_349 = arith.index_cast %get3A_348 : i32 to index
      %get3A_350 = arith.index_cast %mul3A_228 : i32 to index
      %get3A_351 = tpu.vector_load %arg9[%get3A_349, %get3A_350] {strides = array<i32>} : memref<25x1024xf32, #tpu.memory_space<vmem>>, vector<16xf32>,
      %mul3A_352 = arith.mulf %get3A_351, %gather3A_83 : vector<16xf32>
      %add3A_353 = arith.addf %add3A_347, %mul3A_352 : vector<16xf32>
      %get3A_354 = arith.constant 21 : i32
      %get3A_355 = arith.index_cast %get3A_354 : i32 to index
      %get3A_356 = arith.index_cast %mul3A_228 : i32 to index
      %get3A_357 = tpu.vector_load %arg9[%get3A_355, %get3A_356] {strides = array<i32>} : memref<25x1024xf32, #tpu.memory_space<vmem>>, vector<16xf32>,
      %mul3A_358 = arith.mulf %get3A_357, %gather3A_87 : vector<16xf32>
      %add3A_359 = arith.addf %add3A_353, %mul3A_358 : vector<16xf32>
      %get3A_360 = arith.constant 22 : i32
      %get3A_361 = arith.index_cast %get3A_360 : i32 to index
      %get3A_362 = arith.index_cast %mul3A_228 : i32 to index
      %get3A_363 = tpu.vector_load %arg9[%get3A_361, %get3A_362] {strides = array<i32>} : memref<25x1024xf32, #tpu.memory_space<vmem>>, vector<16xf32>,
      %mul3A_364 = arith.mulf %get3A_363, %gather3A_91 : vector<16xf32>
      %add3A_365 = arith.addf %add3A_359, %mul3A_364 : vector<16xf32>
      %get3A_366 = arith.constant 23 : i32
      %get3A_367 = arith.index_cast %get3A_366 : i32 to index
      %get3A_368 = arith.index_cast %mul3A_228 : i32 to index
      %get3A_369 = tpu.vector_load %arg9[%get3A_367, %get3A_368] {strides = array<i32>} : memref<25x1024xf32, #tpu.memory_space<vmem>>, vector<16xf32>,
      %mul3A_370 = arith.mulf %get3A_369, %gather3A_95 : vector<16xf32>
      %add3A_371 = arith.addf %add3A_365, %mul3A_370 : vector<16xf32>
      %get3A_372 = arith.constant 24 : i32
      %get3A_373 = arith.index_cast %get3A_372 : i32 to index
      %get3A_374 = arith.index_cast %mul3A_228 : i32 to index
      %get3A_375 = tpu.vector_load %arg9[%get3A_373, %get3A_374] {strides = array<i32>} : memref<25x1024xf32, #tpu.memory_space<vmem>>, vector<16xf32>,
      %mul3A_376 = arith.mulf %get3A_375, %gather3A_99 : vector<16xf32>
      %add3A_377 = arith.addf %add3A_371, %mul3A_376 : vector<16xf32>
      %mul3A_378 = arith.constant 16 : i32
      %mul3A_379 = arith.muli %scan3A_226, %mul3A_378 : i32
      %add3A_380 = arith.constant 2560 : i32
      %add3A_381 = arith.addi %add3A_380, %mul3A_379 : i32
      %abs3A_382 = math.absf %gather3A_233 : vector<16xf32>
      %swap3A = arith.constant 0 : i32
      %swap3A_383 = arith.index_cast %swap3A : i32 to index
      %swap3A_384 = arith.index_cast %add3A_381 : i32 to index
      %swap3A_385 = tpu.vector_load %arg10[%swap3A_383, %swap3A_384] {strides = array<i32>} : memref<3x3328xf32, #tpu.memory_space<vmem>>, vector<16xf32>,
      tpu.vector_store %arg10[%swap3A_383, %swap3A_384], %abs3A_382 {strides = array<i32>} : memref<3x3328xf32, #tpu.memory_space<vmem>>, vector<16xf32>,
      %abs3A_386 = math.absf %add3A_281 : vector<16xf32>
      %swap3A_387 = arith.constant 1 : i32
      %swap3A_388 = arith.index_cast %swap3A_387 : i32 to index
      %swap3A_389 = arith.index_cast %add3A_381 : i32 to index
      %swap3A_390 = tpu.vector_load %arg10[%swap3A_388, %swap3A_389] {strides = array<i32>} : memref<3x3328xf32, #tpu.memory_space<vmem>>, vector<16xf32>,
      tpu.vector_store %arg10[%swap3A_388, %swap3A_389], %abs3A_386 {strides = array<i32>} : memref<3x3328xf32, #tpu.memory_space<vmem>>, vector<16xf32>,
      %abs3A_391 = math.absf %add3A_377 : vector<16xf32>
      %swap3A_392 = arith.constant 2 : i32
      %swap3A_393 = arith.index_cast %swap3A_392 : i32 to index
      %swap3A_394 = arith.index_cast %add3A_381 : i32 to index
      %swap3A_395 = tpu.vector_load %arg10[%swap3A_393, %swap3A_394] {strides = array<i32>} : memref<3x3328xf32, #tpu.memory_space<vmem>>, vector<16xf32>,
      tpu.vector_store %arg10[%swap3A_393, %swap3A_394], %abs3A_391 {strides = array<i32>} : memref<3x3328xf32, #tpu.memory_space<vmem>>, vector<16xf32>,
    }
    %scan3A_222 = arith.constant 48 : i32
    "tpu.region"() ({
      %run_scoped3A = tpu.sem_alloc : memref<!tpu.dma_semaphore, #tpu.memory_space<semaphore_mem>>
      %dma_start3A_226 = arith.constant 0 : i32
      %dma_start3A_227 = tpu.memref_slice %arg6[%dma_start3A_226, %mul3A_113] : memref<3x99968xf32, #tpu.memory_space<hbm>> -> memref<3x3328xf32, #tpu.memory_space<hbm>>
      %dma_start3A_228 = arith.constant 0 : i32
      %dma_start3A_229 = tpu.memref_slice %arg6[%dma_start3A_228, %mul3A_113] : memref<3x99968xf32, #tpu.memory_space<hbm>> -> memref<3x3328xf32, #tpu.memory_space<hbm>>
      tpu.enqueue_dma source(%arg10 : memref<3x3328xf32, #tpu.memory_space<vmem>>) target(%dma_start3A_229 : memref<3x3328xf32, #tpu.memory_space<hbm>>) target_semaphore(%run_scoped3A : memref<!tpu.dma_semaphore, #tpu.memory_space<semaphore_mem>>)
      %dma_wait3A_230 = arith.constant 0 : i32
      %dma_wait3A_231 = tpu.memref_slice %arg6[%dma_wait3A_230, %mul3A_113] : memref<3x99968xf32, #tpu.memory_space<hbm>> -> memref<3x3328xf32, #tpu.memory_space<hbm>>
      %dma_wait3A_232 = arith.constant 0 : i32
      %dma_wait3A_233 = tpu.memref_slice %arg6[%dma_wait3A_232, %mul3A_113] : memref<3x99968xf32, #tpu.memory_space<hbm>> -> memref<3x3328xf32, #tpu.memory_space<hbm>>
      tpu.wait_dma2 semaphore(%run_scoped3A : memref<!tpu.dma_semaphore, #tpu.memory_space<semaphore_mem>>) src(%arg10 : memref<3x3328xf32, #tpu.memory_space<vmem>>) dst(%dma_wait3A_233 : memref<3x3328xf32, #tpu.memory_space<hbm>>)
      tpu.yield
    }) : () -> ()
    %eq3A = arith.constant 31 : i32
    %eq3A_223 = arith.cmpi eq, %add3A, %eq3A : i32
    %convert_element_type3A_224 = arith.extui %eq3A_223 : i1 to i32
    %cond3A = arith.constant 0 : i32
    %cond3A_225 = arith.cmpi ne, %convert_element_type3A_224, %cond3A : i32
    scf.if %cond3A_225 {
      "tpu.region"() ({
        %run_scoped3A = tpu.sem_alloc : memref<!tpu.dma_semaphore, #tpu.memory_space<semaphore_mem>>
        tpu.enqueue_dma source(%arg3 : memref<25x128xf32, #tpu.memory_space<hbm>>) target(%arg11 : memref<25x128xf32, #tpu.memory_space<vmem>>) target_semaphore(%run_scoped3A : memref<!tpu.dma_semaphore, #tpu.memory_space<semaphore_mem>>)
        tpu.wait_dma2 semaphore(%run_scoped3A : memref<!tpu.dma_semaphore, #tpu.memory_space<semaphore_mem>>) src(%arg3 : memref<25x128xf32, #tpu.memory_space<hbm>>) dst(%arg11 : memref<25x128xf32, #tpu.memory_space<vmem>>)
        tpu.yield
      }) : () -> ()
      %scan3A_226 = arith.constant 0 : i32
      %scan3A_227 = arith.constant 0 : i32
      %scan3A_228 = arith.constant 8 : i32
      %scan3A_229 = arith.addi %scan3A_227, %scan3A_228 : i32
      %scan3A_230 = arith.constant 1 : i32
      scf.for %scan3A_232 = %scan3A_227 to %scan3A_229 step %scan3A_230  : i32 {
        %mul3A_233 = arith.constant 16 : i32
        %mul3A_234 = arith.muli %scan3A_232, %mul3A_233 : i32
        %get3A = arith.constant 0 : i32
        %get3A_235 = arith.index_cast %get3A : i32 to index
        %get3A_236 = arith.index_cast %mul3A_234 : i32 to index
        %get3A_237 = tpu.vector_load %arg11[%get3A_235, %get3A_236] {strides = array<i32>} : memref<25x128xf32, #tpu.memory_space<vmem>>, vector<16xf32>,
        %convert_element_type3A_238 = arith.fptosi %get3A_237 : vector<16xf32> to vector<16xi32>
        %gather3A_239 = tpu.vector_load_idx %arg13[%convert_element_type3A_238] : memref<1000xf32, #tpu.memory_space<vmem>>[vector<16xi32>], vector<16xf32>,
        %get3A_240 = arith.constant 1 : i32
        %get3A_241 = arith.index_cast %get3A_240 : i32 to index
        %get3A_242 = arith.index_cast %mul3A_234 : i32 to index
        %get3A_243 = tpu.vector_load %arg11[%get3A_241, %get3A_242] {strides = array<i32>} : memref<25x128xf32, #tpu.memory_space<vmem>>, vector<16xf32>,
        %mul3A_244 = arith.mulf %get3A_243, %gather3A_7 : vector<16xf32>
        %add3A_245 = arith.addf %gather3A_103, %mul3A_244 : vector<16xf32>
        %get3A_246 = arith.constant 2 : i32
        %get3A_247 = arith.index_cast %get3A_246 : i32 to index
        %get3A_248 = arith.index_cast %mul3A_234 : i32 to index
        %get3A_249 = tpu.vector_load %arg11[%get3A_247, %get3A_248] {strides = array<i32>} : memref<25x128xf32, #tpu.memory_space<vmem>>, vector<16xf32>,
        %mul3A_250 = arith.mulf %get3A_249, %gather3A_11 : vector<16xf32>
        %add3A_251 = arith.addf %add3A_245, %mul3A_250 : vector<16xf32>
        %get3A_252 = arith.constant 3 : i32
        %get3A_253 = arith.index_cast %get3A_252 : i32 to index
        %get3A_254 = arith.index_cast %mul3A_234 : i32 to index
        %get3A_255 = tpu.vector_load %arg11[%get3A_253, %get3A_254] {strides = array<i32>} : memref<25x128xf32, #tpu.memory_space<vmem>>, vector<16xf32>,
        %mul3A_256 = arith.mulf %get3A_255, %gather3A_15 : vector<16xf32>
        %add3A_257 = arith.addf %add3A_251, %mul3A_256 : vector<16xf32>
        %get3A_258 = arith.constant 4 : i32
        %get3A_259 = arith.index_cast %get3A_258 : i32 to index
        %get3A_260 = arith.index_cast %mul3A_234 : i32 to index
        %get3A_261 = tpu.vector_load %arg11[%get3A_259, %get3A_260] {strides = array<i32>} : memref<25x128xf32, #tpu.memory_space<vmem>>, vector<16xf32>,
        %mul3A_262 = arith.mulf %get3A_261, %gather3A_19 : vector<16xf32>
        %add3A_263 = arith.addf %add3A_257, %mul3A_262 : vector<16xf32>
        %get3A_264 = arith.constant 5 : i32
        %get3A_265 = arith.index_cast %get3A_264 : i32 to index
        %get3A_266 = arith.index_cast %mul3A_234 : i32 to index
        %get3A_267 = tpu.vector_load %arg11[%get3A_265, %get3A_266] {strides = array<i32>} : memref<25x128xf32, #tpu.memory_space<vmem>>, vector<16xf32>,
        %mul3A_268 = arith.mulf %get3A_267, %gather3A_23 : vector<16xf32>
        %add3A_269 = arith.addf %add3A_263, %mul3A_268 : vector<16xf32>
        %get3A_270 = arith.constant 6 : i32
        %get3A_271 = arith.index_cast %get3A_270 : i32 to index
        %get3A_272 = arith.index_cast %mul3A_234 : i32 to index
        %get3A_273 = tpu.vector_load %arg11[%get3A_271, %get3A_272] {strides = array<i32>} : memref<25x128xf32, #tpu.memory_space<vmem>>, vector<16xf32>,
        %mul3A_274 = arith.mulf %get3A_273, %gather3A_27 : vector<16xf32>
        %add3A_275 = arith.addf %add3A_269, %mul3A_274 : vector<16xf32>
        %get3A_276 = arith.constant 7 : i32
        %get3A_277 = arith.index_cast %get3A_276 : i32 to index
        %get3A_278 = arith.index_cast %mul3A_234 : i32 to index
        %get3A_279 = tpu.vector_load %arg11[%get3A_277, %get3A_278] {strides = array<i32>} : memref<25x128xf32, #tpu.memory_space<vmem>>, vector<16xf32>,
        %mul3A_280 = arith.mulf %get3A_279, %gather3A_31 : vector<16xf32>
        %add3A_281 = arith.addf %add3A_275, %mul3A_280 : vector<16xf32>
        %get3A_282 = arith.constant 8 : i32
        %get3A_283 = arith.index_cast %get3A_282 : i32 to index
        %get3A_284 = arith.index_cast %mul3A_234 : i32 to index
        %get3A_285 = tpu.vector_load %arg11[%get3A_283, %get3A_284] {strides = array<i32>} : memref<25x128xf32, #tpu.memory_space<vmem>>, vector<16xf32>,
        %mul3A_286 = arith.mulf %get3A_285, %gather3A_35 : vector<16xf32>
        %add3A_287 = arith.addf %add3A_281, %mul3A_286 : vector<16xf32>
        %get3A_288 = arith.constant 9 : i32
        %get3A_289 = arith.index_cast %get3A_288 : i32 to index
        %get3A_290 = arith.index_cast %mul3A_234 : i32 to index
        %get3A_291 = tpu.vector_load %arg11[%get3A_289, %get3A_290] {strides = array<i32>} : memref<25x128xf32, #tpu.memory_space<vmem>>, vector<16xf32>,
        %mul3A_292 = arith.mulf %get3A_291, %gather3A_39 : vector<16xf32>
        %add3A_293 = arith.addf %gather3A_107, %mul3A_292 : vector<16xf32>
        %get3A_294 = arith.constant 10 : i32
        %get3A_295 = arith.index_cast %get3A_294 : i32 to index
        %get3A_296 = arith.index_cast %mul3A_234 : i32 to index
        %get3A_297 = tpu.vector_load %arg11[%get3A_295, %get3A_296] {strides = array<i32>} : memref<25x128xf32, #tpu.memory_space<vmem>>, vector<16xf32>,
        %mul3A_298 = arith.mulf %get3A_297, %gather3A_43 : vector<16xf32>
        %add3A_299 = arith.addf %add3A_293, %mul3A_298 : vector<16xf32>
        %get3A_300 = arith.constant 11 : i32
        %get3A_301 = arith.index_cast %get3A_300 : i32 to index
        %get3A_302 = arith.index_cast %mul3A_234 : i32 to index
        %get3A_303 = tpu.vector_load %arg11[%get3A_301, %get3A_302] {strides = array<i32>} : memref<25x128xf32, #tpu.memory_space<vmem>>, vector<16xf32>,
        %mul3A_304 = arith.mulf %get3A_303, %gather3A_47 : vector<16xf32>
        %add3A_305 = arith.addf %add3A_299, %mul3A_304 : vector<16xf32>
        %get3A_306 = arith.constant 12 : i32
        %get3A_307 = arith.index_cast %get3A_306 : i32 to index
        %get3A_308 = arith.index_cast %mul3A_234 : i32 to index
        %get3A_309 = tpu.vector_load %arg11[%get3A_307, %get3A_308] {strides = array<i32>} : memref<25x128xf32, #tpu.memory_space<vmem>>, vector<16xf32>,
        %mul3A_310 = arith.mulf %get3A_309, %gather3A_51 : vector<16xf32>
        %add3A_311 = arith.addf %add3A_305, %mul3A_310 : vector<16xf32>
        %get3A_312 = arith.constant 13 : i32
        %get3A_313 = arith.index_cast %get3A_312 : i32 to index
        %get3A_314 = arith.index_cast %mul3A_234 : i32 to index
        %get3A_315 = tpu.vector_load %arg11[%get3A_313, %get3A_314] {strides = array<i32>} : memref<25x128xf32, #tpu.memory_space<vmem>>, vector<16xf32>,
        %mul3A_316 = arith.mulf %get3A_315, %gather3A_55 : vector<16xf32>
        %add3A_317 = arith.addf %add3A_311, %mul3A_316 : vector<16xf32>
        %get3A_318 = arith.constant 14 : i32
        %get3A_319 = arith.index_cast %get3A_318 : i32 to index
        %get3A_320 = arith.index_cast %mul3A_234 : i32 to index
        %get3A_321 = tpu.vector_load %arg11[%get3A_319, %get3A_320] {strides = array<i32>} : memref<25x128xf32, #tpu.memory_space<vmem>>, vector<16xf32>,
        %mul3A_322 = arith.mulf %get3A_321, %gather3A_59 : vector<16xf32>
        %add3A_323 = arith.addf %add3A_317, %mul3A_322 : vector<16xf32>
        %get3A_324 = arith.constant 15 : i32
        %get3A_325 = arith.index_cast %get3A_324 : i32 to index
        %get3A_326 = arith.index_cast %mul3A_234 : i32 to index
        %get3A_327 = tpu.vector_load %arg11[%get3A_325, %get3A_326] {strides = array<i32>} : memref<25x128xf32, #tpu.memory_space<vmem>>, vector<16xf32>,
        %mul3A_328 = arith.mulf %get3A_327, %gather3A_63 : vector<16xf32>
        %add3A_329 = arith.addf %add3A_323, %mul3A_328 : vector<16xf32>
        %get3A_330 = arith.constant 16 : i32
        %get3A_331 = arith.index_cast %get3A_330 : i32 to index
        %get3A_332 = arith.index_cast %mul3A_234 : i32 to index
        %get3A_333 = tpu.vector_load %arg11[%get3A_331, %get3A_332] {strides = array<i32>} : memref<25x128xf32, #tpu.memory_space<vmem>>, vector<16xf32>,
        %mul3A_334 = arith.mulf %get3A_333, %gather3A_67 : vector<16xf32>
        %add3A_335 = arith.addf %add3A_329, %mul3A_334 : vector<16xf32>
        %get3A_336 = arith.constant 17 : i32
        %get3A_337 = arith.index_cast %get3A_336 : i32 to index
        %get3A_338 = arith.index_cast %mul3A_234 : i32 to index
        %get3A_339 = tpu.vector_load %arg11[%get3A_337, %get3A_338] {strides = array<i32>} : memref<25x128xf32, #tpu.memory_space<vmem>>, vector<16xf32>,
        %mul3A_340 = arith.mulf %get3A_339, %gather3A_71 : vector<16xf32>
        %add3A_341 = arith.addf %add3A_335, %mul3A_340 : vector<16xf32>
        %get3A_342 = arith.constant 18 : i32
        %get3A_343 = arith.index_cast %get3A_342 : i32 to index
        %get3A_344 = arith.index_cast %mul3A_234 : i32 to index
        %get3A_345 = tpu.vector_load %arg11[%get3A_343, %get3A_344] {strides = array<i32>} : memref<25x128xf32, #tpu.memory_space<vmem>>, vector<16xf32>,
        %mul3A_346 = arith.mulf %get3A_345, %gather3A_75 : vector<16xf32>
        %add3A_347 = arith.addf %add3A_341, %mul3A_346 : vector<16xf32>
        %get3A_348 = arith.constant 19 : i32
        %get3A_349 = arith.index_cast %get3A_348 : i32 to index
        %get3A_350 = arith.index_cast %mul3A_234 : i32 to index
        %get3A_351 = tpu.vector_load %arg11[%get3A_349, %get3A_350] {strides = array<i32>} : memref<25x128xf32, #tpu.memory_space<vmem>>, vector<16xf32>,
        %mul3A_352 = arith.mulf %get3A_351, %gather3A_79 : vector<16xf32>
        %add3A_353 = arith.addf %add3A_347, %mul3A_352 : vector<16xf32>
        %get3A_354 = arith.constant 20 : i32
        %get3A_355 = arith.index_cast %get3A_354 : i32 to index
        %get3A_356 = arith.index_cast %mul3A_234 : i32 to index
        %get3A_357 = tpu.vector_load %arg11[%get3A_355, %get3A_356] {strides = array<i32>} : memref<25x128xf32, #tpu.memory_space<vmem>>, vector<16xf32>,
        %mul3A_358 = arith.mulf %get3A_357, %gather3A_83 : vector<16xf32>
        %add3A_359 = arith.addf %add3A_353, %mul3A_358 : vector<16xf32>
        %get3A_360 = arith.constant 21 : i32
        %get3A_361 = arith.index_cast %get3A_360 : i32 to index
        %get3A_362 = arith.index_cast %mul3A_234 : i32 to index
        %get3A_363 = tpu.vector_load %arg11[%get3A_361, %get3A_362] {strides = array<i32>} : memref<25x128xf32, #tpu.memory_space<vmem>>, vector<16xf32>,
        %mul3A_364 = arith.mulf %get3A_363, %gather3A_87 : vector<16xf32>
        %add3A_365 = arith.addf %add3A_359, %mul3A_364 : vector<16xf32>
        %get3A_366 = arith.constant 22 : i32
        %get3A_367 = arith.index_cast %get3A_366 : i32 to index
        %get3A_368 = arith.index_cast %mul3A_234 : i32 to index
        %get3A_369 = tpu.vector_load %arg11[%get3A_367, %get3A_368] {strides = array<i32>} : memref<25x128xf32, #tpu.memory_space<vmem>>, vector<16xf32>,
        %mul3A_370 = arith.mulf %get3A_369, %gather3A_91 : vector<16xf32>
        %add3A_371 = arith.addf %add3A_365, %mul3A_370 : vector<16xf32>
        %get3A_372 = arith.constant 23 : i32
        %get3A_373 = arith.index_cast %get3A_372 : i32 to index
        %get3A_374 = arith.index_cast %mul3A_234 : i32 to index
        %get3A_375 = tpu.vector_load %arg11[%get3A_373, %get3A_374] {strides = array<i32>} : memref<25x128xf32, #tpu.memory_space<vmem>>, vector<16xf32>,
        %mul3A_376 = arith.mulf %get3A_375, %gather3A_95 : vector<16xf32>
        %add3A_377 = arith.addf %add3A_371, %mul3A_376 : vector<16xf32>
        %get3A_378 = arith.constant 24 : i32
        %get3A_379 = arith.index_cast %get3A_378 : i32 to index
        %get3A_380 = arith.index_cast %mul3A_234 : i32 to index
        %get3A_381 = tpu.vector_load %arg11[%get3A_379, %get3A_380] {strides = array<i32>} : memref<25x128xf32, #tpu.memory_space<vmem>>, vector<16xf32>,
        %mul3A_382 = arith.mulf %get3A_381, %gather3A_99 : vector<16xf32>
        %add3A_383 = arith.addf %add3A_377, %mul3A_382 : vector<16xf32>
        %mul3A_384 = arith.constant 16 : i32
        %mul3A_385 = arith.muli %scan3A_232, %mul3A_384 : i32
        %add3A_386 = arith.constant 0 : i32
        %add3A_387 = arith.addi %add3A_386, %mul3A_385 : i32
        %abs3A_388 = math.absf %gather3A_239 : vector<16xf32>
        %swap3A = arith.constant 0 : i32
        %swap3A_389 = arith.index_cast %swap3A : i32 to index
        %swap3A_390 = arith.index_cast %add3A_387 : i32 to index
        %swap3A_391 = tpu.vector_load %arg12[%swap3A_389, %swap3A_390] {strides = array<i32>} : memref<3x128xf32, #tpu.memory_space<vmem>>, vector<16xf32>,
        tpu.vector_store %arg12[%swap3A_389, %swap3A_390], %abs3A_388 {strides = array<i32>} : memref<3x128xf32, #tpu.memory_space<vmem>>, vector<16xf32>,
        %abs3A_392 = math.absf %add3A_287 : vector<16xf32>
        %swap3A_393 = arith.constant 1 : i32
        %swap3A_394 = arith.index_cast %swap3A_393 : i32 to index
        %swap3A_395 = arith.index_cast %add3A_387 : i32 to index
        %swap3A_396 = tpu.vector_load %arg12[%swap3A_394, %swap3A_395] {strides = array<i32>} : memref<3x128xf32, #tpu.memory_space<vmem>>, vector<16xf32>,
        tpu.vector_store %arg12[%swap3A_394, %swap3A_395], %abs3A_392 {strides = array<i32>} : memref<3x128xf32, #tpu.memory_space<vmem>>, vector<16xf32>,
        %abs3A_397 = math.absf %add3A_383 : vector<16xf32>
        %swap3A_398 = arith.constant 2 : i32
        %swap3A_399 = arith.index_cast %swap3A_398 : i32 to index
        %swap3A_400 = arith.index_cast %add3A_387 : i32 to index
        %swap3A_401 = tpu.vector_load %arg12[%swap3A_399, %swap3A_400] {strides = array<i32>} : memref<3x128xf32, #tpu.memory_space<vmem>>, vector<16xf32>,
        tpu.vector_store %arg12[%swap3A_399, %swap3A_400], %abs3A_397 {strides = array<i32>} : memref<3x128xf32, #tpu.memory_space<vmem>>, vector<16xf32>,
      }
      %scan3A_231 = arith.constant 8 : i32
      "tpu.region"() ({
        %run_scoped3A = tpu.sem_alloc : memref<!tpu.dma_semaphore, #tpu.memory_space<semaphore_mem>>
        tpu.enqueue_dma source(%arg12 : memref<3x128xf32, #tpu.memory_space<vmem>>) target(%arg7 : memref<3x128xf32, #tpu.memory_space<hbm>>) target_semaphore(%run_scoped3A : memref<!tpu.dma_semaphore, #tpu.memory_space<semaphore_mem>>)
        tpu.wait_dma2 semaphore(%run_scoped3A : memref<!tpu.dma_semaphore, #tpu.memory_space<semaphore_mem>>) src(%arg12 : memref<3x128xf32, #tpu.memory_space<vmem>>) dst(%arg7 : memref<3x128xf32, #tpu.memory_space<hbm>>)
        tpu.yield
      }) : () -> ()
    } else {
    }
    return
  }
}

module attributes {stable_mosaic.version = 14 : i64} {
  func.func @_fold_kernel(%arg0: memref<64x1000xf32, #tpu.memory_space<vmem>>, %arg1: memref<1x64xf32, #tpu.memory_space<vmem>>, %arg2: memref<1xf32, #tpu.memory_space<vmem>>, %arg3: memref<8x64xf32, #tpu.memory_space<vmem>>, %arg4: memref<64xf32, #tpu.memory_space<vmem>>, %arg5: memref<1x64xf32, #tpu.memory_space<vmem>>, %arg6: memref<1xf32, #tpu.memory_space<vmem>>, %arg7: memref<16x64xf32, #tpu.memory_space<vmem>>, %arg8: memref<64xf32, #tpu.memory_space<vmem>>, %arg9: memref<1x64xf32, #tpu.memory_space<vmem>>, %arg10: memref<1xf32, #tpu.memory_space<vmem>>, %arg11: memref<1x1000xf32, #tpu.memory_space<vmem>>, %arg12: memref<1x32xf32, #tpu.memory_space<vmem>>) attributes {dimension_semantics = [], scalar_prefetch = 0 : i64, scratch_operands = 0 : i64, tpu.core_type = #tpu.core_type<tc>} {
    %get3A = arith.constant 0 : index
    %get3A_0 = arith.constant 0 : index
    %get3A_1 = vector.load %arg1[%get3A, %get3A_0] : memref<1x64xf32, #tpu.memory_space<vmem>>, vector<1x64xf32>
    %get3A_2 = arith.constant 0 : index
    %get3A_3 = arith.constant 0 : index
    %get3A_4 = vector.load %arg0[%get3A_2, %get3A_3] : memref<64x1000xf32, #tpu.memory_space<vmem>>, vector<64x1000xf32>
    %dot_general3A = arith.constant dense<0.000000e+00> : vector<1x1000xf32>
    %dot_general3A_5 = tpu.matmul %get3A_1, %get3A_4, %dot_general3A {dimension_numbers = #tpu.dot_dimension_numbers<[1], [0], [0], [1], [0, 0, 1, 1], [], []>, transpose_lhs_hint = false} : vector<1x64xf32>, vector<64x1000xf32>, vector<1x1000xf32> -> vector<1x1000xf32>
    %get3A_6 = arith.constant 0 : index
    %get3A_7 = vector.load %arg2[%get3A_6] : memref<1xf32, #tpu.memory_space<vmem>>, vector<1xf32>
    %squeeze3A = vector.extract %get3A_7[0] : f32 from vector<1xf32>
    %add3A = vector.broadcast %squeeze3A : f32 to vector<1x1000xf32>
    %add3A_8 = arith.addf %dot_general3A_5, %add3A : vector<1x1000xf32>
    %swap3A = arith.constant 0 : index
    %swap3A_9 = arith.constant 0 : index
    %swap3A_10 = vector.load %arg11[%swap3A, %swap3A_9] : memref<1x1000xf32, #tpu.memory_space<vmem>>, vector<1x1000xf32>
    tpu.vector_store %arg11[%swap3A, %swap3A_9], %add3A_8 {strides = array<i32>} : memref<1x1000xf32, #tpu.memory_space<vmem>>, vector<1x1000xf32>,
    %get3A_11 = arith.constant 0 : index
    %get3A_12 = arith.constant 0 : index
    %get3A_13 = vector.load %arg5[%get3A_11, %get3A_12] : memref<1x64xf32, #tpu.memory_space<vmem>>, vector<1x64xf32>
    %get3A_14 = arith.constant 0 : index
    %get3A_15 = arith.constant 0 : index
    %get3A_16 = vector.load %arg3[%get3A_14, %get3A_15] : memref<8x64xf32, #tpu.memory_space<vmem>>, vector<8x64xf32>
    %mul3A = vector.broadcast %get3A_13 : vector<1x64xf32> to vector<8x64xf32>
    %mul3A_17 = arith.mulf %get3A_16, %mul3A : vector<8x64xf32>
    %reduce_sum3A = arith.constant dense<0.000000e+00> : vector<8xf32>
    %reduce_sum3A_18 = vector.multi_reduction <add>, %mul3A_17, %reduce_sum3A [1] : vector<8x64xf32> to vector<8xf32>
    %squeeze3A_19 = vector.shape_cast %get3A_13 : vector<1x64xf32> to vector<64xf32>
    %get3A_20 = arith.constant 0 : index
    %get3A_21 = vector.load %arg4[%get3A_20] : memref<64xf32, #tpu.memory_space<vmem>>, vector<64xf32>
    %mul3A_22 = arith.mulf %squeeze3A_19, %get3A_21 : vector<64xf32>
    %reduce_sum3A_23 = vector.shape_cast %mul3A_22 : vector<64xf32> to vector<1x64xf32>
    %reduce_sum3A_24 = arith.constant dense<0.000000e+00> : vector<1xf32>
    %reduce_sum3A_25 = vector.multi_reduction <add>, %reduce_sum3A_23, %reduce_sum3A_24 [1] : vector<1x64xf32> to vector<1xf32>
    %reduce_sum3A_26 = vector.shape_cast %reduce_sum3A_25 : vector<1xf32> to vector<1x1xf32>
    %reduce_sum3A_27 = vector.extract %reduce_sum3A_26[0, 0] : f32 from vector<1x1xf32>
    %get3A_28 = arith.constant 0 : index
    %get3A_29 = vector.load %arg6[%get3A_28] : memref<1xf32, #tpu.memory_space<vmem>>, vector<1xf32>
    %add3A_30 = vector.broadcast %reduce_sum3A_27 : f32 to vector<1xf32>
    %add3A_31 = arith.addf %add3A_30, %get3A_29 : vector<1xf32>
    %get3A_32 = arith.constant 0 : index
    %get3A_33 = arith.constant 0 : index
    %get3A_34 = vector.load %arg9[%get3A_32, %get3A_33] : memref<1x64xf32, #tpu.memory_space<vmem>>, vector<1x64xf32>
    %get3A_35 = arith.constant 0 : index
    %get3A_36 = arith.constant 0 : index
    %get3A_37 = vector.load %arg7[%get3A_35, %get3A_36] : memref<16x64xf32, #tpu.memory_space<vmem>>, vector<16x64xf32>
    %mul3A_38 = vector.broadcast %get3A_34 : vector<1x64xf32> to vector<16x64xf32>
    %mul3A_39 = arith.mulf %get3A_37, %mul3A_38 : vector<16x64xf32>
    %reduce_sum3A_40 = arith.constant dense<0.000000e+00> : vector<16xf32>
    %reduce_sum3A_41 = vector.multi_reduction <add>, %mul3A_39, %reduce_sum3A_40 [1] : vector<16x64xf32> to vector<16xf32>
    %squeeze3A_42 = vector.shape_cast %get3A_34 : vector<1x64xf32> to vector<64xf32>
    %get3A_43 = arith.constant 0 : index
    %get3A_44 = vector.load %arg8[%get3A_43] : memref<64xf32, #tpu.memory_space<vmem>>, vector<64xf32>
    %mul3A_45 = arith.mulf %squeeze3A_42, %get3A_44 : vector<64xf32>
    %reduce_sum3A_46 = vector.shape_cast %mul3A_45 : vector<64xf32> to vector<1x64xf32>
    %reduce_sum3A_47 = arith.constant dense<0.000000e+00> : vector<1xf32>
    %reduce_sum3A_48 = vector.multi_reduction <add>, %reduce_sum3A_46, %reduce_sum3A_47 [1] : vector<1x64xf32> to vector<1xf32>
    %reduce_sum3A_49 = vector.shape_cast %reduce_sum3A_48 : vector<1xf32> to vector<1x1xf32>
    %reduce_sum3A_50 = vector.extract %reduce_sum3A_49[0, 0] : f32 from vector<1x1xf32>
    %get3A_51 = arith.constant 0 : index
    %get3A_52 = vector.load %arg10[%get3A_51] : memref<1xf32, #tpu.memory_space<vmem>>, vector<1xf32>
    %add3A_53 = vector.broadcast %reduce_sum3A_50 : f32 to vector<1xf32>
    %add3A_54 = arith.addf %add3A_53, %get3A_52 : vector<1xf32>
    %broadcast_in_dim3A = arith.constant 0.000000e+00 : f32
    %broadcast_in_dim3A_55 = vector.broadcast %broadcast_in_dim3A : f32 to vector<6xf32>
    %concatenate3A = tpu.concatenate %reduce_sum3A_18, %reduce_sum3A_41, %add3A_31, %add3A_54, %broadcast_in_dim3A_55 in 0 : vector<8xf32>, vector<16xf32>, vector<1xf32>, vector<1xf32>, vector<6xf32> -> vector<32xf32>
    %reshape3A = vector.shape_cast %concatenate3A : vector<32xf32> to vector<1x32xf32>
    %swap3A_56 = arith.constant 0 : index
    %swap3A_57 = arith.constant 0 : index
    %swap3A_58 = vector.load %arg12[%swap3A_56, %swap3A_57] : memref<1x32xf32, #tpu.memory_space<vmem>>, vector<1x32xf32>
    tpu.vector_store %arg12[%swap3A_56, %swap3A_57], %reshape3A {strides = array<i32>} : memref<1x32xf32, #tpu.memory_space<vmem>>, vector<1x32xf32>,
    return
  }
}

</mosaic_0001>

<sc_bundles>
// kernel: kernel.4.cloned.1.call-start
scs
__scs_entry_jumppad:
0x0: {  	(pc) =	sbr.rel $0x88, $3  }
0x1: {  	(tag) =	ssettag $0x0;
	lr =	simm.s32 $0x1  }
0x2: {  	[smem:$0x3F95] =	sst lr;
	_ =	strace $0xD0000000  }
0x3: {  	_ = 	snop  }
0x4: {  	_ = 	snop  }
0x5: {  	_ = 	snop  }
0x6: {  	_ = 	snop  }
0x7: {  	_ = 	snop  }
__scs_overlays_trampoline_lowered:
0x8: {  	[smem:$0x3FA4] =	sst s0  }
0x9: {  	[smem:$0x3FA5] =	sst s1  }
0xa: {  	[smem:$0x3FA6] =	sst s2  }
0xb: {  	[smem:$0x3FA7] =	sst s3  }
0xc: {  	[smem:$0x3FA8] =	sst s4  }
0xd: {  	[smem:$0x3FA9] =	sst s5  }
0xe: {  	[smem:$0x3FAA] =	sst s6  }
0xf: {  	[smem:$0x3FAB] =	sst s7  }
0x10: {  	[smem:$0x3FAC] =	sst s8  }
0x11: {  	[smem:$0x3FAD] =	sst s9;
	s0 =	simm.s32 @!p0 $0x0  }
0x12: {  	s1 =	sld [smem:$0x3F93];
	s0 =	simm.s32 @p0 $0x1  }
0x13: {  	[smem:$0x3FAE] =	sst s0;
	s0 =	simm.s32 @!p1 $0x0  }
0x14: {  	s2 =	sld [smem:$0x3F92];
	s0 =	simm.s32 @p1 $0x1  }
0x15: {  	[smem:$0x3FAF] =	sst s0;
	s0 =	simm.s32 @!p2 $0x0  }
0x16: {  	s3 =	sld [smem:$0x3FDB];
	s0 =	simm.s32 @p2 $0x1  }
0x17: {  	s4 =	simm.s32 $0x1BF5;
	[smem:$0x3FB1] =	sst s0  }
0x18: {  	s0 =	sld [smem:$0x3F94];
	_ =	swait.ge [sflag:s4], $0x0  }
0x19: {  	s7 =	sld [smem:$0x3F95]  }
0x1a: {  	s8 =	sadd.s32 $0xFFFFE003, lr  }
0x1b: {  	s9 =	sadd.s32 $0xFFFFFEF7, lr;
	s5 =	simm.s32 $0xFFFFFFFF;
	p2 =	slt.u32 s8, $0xFFFFF086  }
0x1c: {  	p1 =	slt.u32 s9, $0xF7A;
	s5 =	simm.s32 @!p2 $0x0  }
0x1d: {  	s5 =	simm.s32 @p1 $0x1;
	p0 =	seq.s32 s7, s2  }
0x1e: {  	s7 =	smul.u32 @!p0 $0xF7A, s2;
	p2 =	seq.s32 @!p0 s5, $0x0  }
0x1f: {  	s9 =	smul.u32 $0xF7A, s1;
	s8 =	simm.s32 @!p0 $0x1BF5;
	p2 =	por !p2, p0  }
0x20: {  	[sflag:s8] =	ssyncset.s32 @!p0 $0xFFFFF086;
	s6 =	sadd.s32 @!p0 s3, s7;
	s7 =	simm.s32 @!p0 $0x108  }
0x21: {  	s3 =	sadd.s32 s3, s9;
	s6 =	sadd.s32 @!p0 $0x88, s6;
	s7 =	simm.s32 @p2 $0x1082  }
0x22: {  	[simem:s7], [sflag:s8] =	dma.local @!p0 [hbm:s6], $0xF7A  }
0x23: {  	s9 =	sor.u32 $0xD0000000, s2;
	s6 =	simm.s32 $0x108;
	_ =	swait.ge @!p0 [sflag:s8], $0x0  }
0x24: {  	s3 =	sadd.s32 $0x88, s3;
	s6 =	simm.s32 @!p1 $0x1082;
	[sflag:s4] =	ssyncset.s32 $0xFFFFF086  }
0x25: {  	[simem:s6], [sflag:s4] =	dma.local [hbm:s3], $0xF7A  }
0x26: {  	[smem:$0x3F95] =	sst s1;
	(tag) =	ssettag s2;
	_ =	strace s9  }
0x27: {  	s1 =	sld [smem:$0x3FA5]  }
0x28: {  	s2 =	sld [smem:$0x3FA6]  }
0x29: {  	s4 =	sld [smem:$0x3FA8]  }
0x2a: {  	p0 =	seq.s32 s5, $0x0;
	s5 =	sld [smem:$0x3FA9]  }
0x2b: {  	s6 =	sld [smem:$0x3FAA]  }
0x2c: {  	s7 =	sld [smem:$0x3FAB]  }
0x2d: {  	s3 =	simm.s32 $0x108;
	s8 =	sld [smem:$0x3FAC]  }
0x2e: {  	s3 =	simm.s32 @!p0 $0x1082;
	s9 =	sld [smem:$0x3FAD]  }
0x2f: {  	lr =	sadd.s32 s0, s3;
	s0 =	sld [smem:$0x3FA4]  }
0x30: {  	s3 =	sld [smem:$0x3FA7]  }
0x31: {  	[smem:$0x3FB0] =	sst s10  }
0x32: {  	s10 =	sld [smem:$0x3FAE];
	_ =	sdelay $0x3  }
0x33: {  	p0 =	seq.s32 s10, $0x1;
	s10 =	sld [smem:$0x3FB0];
	_ =	sdelay $0x3  }
0x34: {  	[smem:$0x3FB0] =	sst s10  }
0x35: {  	s10 =	sld [smem:$0x3FAF];
	_ =	sdelay $0x3  }
0x36: {  	p1 =	seq.s32 s10, $0x1;
	s10 =	sld [smem:$0x3FB0];
	_ =	sdelay $0x3  }
0x37: {  	[smem:$0x3FB0] =	sst s10  }
0x38: {  	s10 =	sld [smem:$0x3FB1]  }
0x39: {  	_ = 	snop;
	(pc) =	sbr.ind lr, $3  }
0x3a: {  	_ = 	snop  }
0x3b: {  	_ = 	snop  }
0x3c: {  	p2 =	seq.s32 s10, $0x1;
	s10 =	sld [smem:$0x3FB0]  }
0x3d: {  	_ =	shalt  }
0x3e: {  	_ =	shalt  }
0x3f: {  	_ =	shalt  }
0x40: {  	_ =	shalt  }
0x41: {  	_ =	shalt  }
0x42: {  	_ =	shalt  }
0x43: {  	_ =	shalt  }
0x44: {  	_ =	shalt  }
0x45: {  	_ =	shalt  }
0x46: {  	_ =	shalt  }
0x47: {  	_ =	shalt  }
0x48: {  	_ =	shalt  }
0x49: {  	_ =	shalt  }
0x4a: {  	_ =	shalt  }
0x4b: {  	_ =	shalt  }
0x4c: {  	_ =	shalt  }
0x4d: {  	_ =	shalt  }
0x4e: {  	_ =	shalt  }
0x4f: {  	_ =	shalt  }
0x50: {  	_ =	shalt  }
0x51: {  	_ =	shalt  }
0x52: {  	_ =	shalt  }
0x53: {  	_ =	shalt  }
0x54: {  	_ =	shalt  }
0x55: {  	_ =	shalt  }
0x56: {  	_ =	shalt  }
0x57: {  	_ =	shalt  }
0x58: {  	_ =	shalt  }
0x59: {  	_ =	shalt  }
0x5a: {  	_ =	shalt  }
0x5b: {  	_ =	shalt  }
0x5c: {  	_ =	shalt  }
0x5d: {  	_ =	shalt  }
0x5e: {  	_ =	shalt  }
0x5f: {  	_ =	shalt  }
0x60: {  	_ =	shalt  }
0x61: {  	_ =	shalt  }
0x62: {  	_ =	shalt  }
0x63: {  	_ =	shalt  }
0x64: {  	_ =	shalt  }
0x65: {  	_ =	shalt  }
0x66: {  	_ =	shalt  }
0x67: {  	_ =	shalt  }
0x68: {  	_ =	shalt  }
0x69: {  	_ =	shalt  }
0x6a: {  	_ =	shalt  }
0x6b: {  	_ =	shalt  }
0x6c: {  	_ =	shalt  }
0x6d: {  	_ =	shalt  }
0x6e: {  	_ =	shalt  }
0x6f: {  	_ =	shalt  }
0x70: {  	_ =	shalt  }
0x71: {  	_ =	shalt  }
0x72: {  	_ =	shalt  }
0x73: {  	_ =	shalt  }
0x74: {  	_ =	shalt  }
0x75: {  	_ =	shalt  }
0x76: {  	_ =	shalt  }
0x77: {  	_ =	shalt  }
0x78: {  	_ =	shalt  }
0x79: {  	_ =	shalt  }
0x7a: {  	_ =	shalt  }
0x7b: {  	_ =	shalt  }
0x7c: {  	_ =	shalt  }
0x7d: {  	_ =	shalt  }
0x7e: {  	_ =	shalt  }
0x7f: {  	_ =	shalt  }
0x80: {  	_ =	shalt  }
0x81: {  	_ =	shalt  }
0x82: {  	_ =	shalt  }
0x83: {  	_ =	shalt  }
0x84: {  	_ =	shalt  }
0x85: {  	_ =	shalt  }
0x86: {  	_ =	shalt  }
0x87: {  	_ =	shalt  }
.Lfunc_end0:
.L_simem_size_0:
called_computation_lowered:
.L_overlay_start_0:
0x88: {  	s2 =	sld [smem:$0x3FD9]  }
0x89: {  	s3 =	sld [smem:$0x3FFE];
	_ =	sdelay $0x1  }
0x8a: {  	s1 =	srdreg.scid  }
0x8b: {  	s0 =	sand.u32 $0x1, s1  }
0x8c: {  	s17 =	sshll.u32 s0, $0xA;
	s2 =	sadd.s32 s3, s2  }
0x8d: {  	s2 =	sadd.s32 s2, s17  }
0x8e: {  	[smem:$0x3FBC] =	sst s2  }
0x8f: {  	_ = 	snop  }
0x90: {  	s2 =	sld [smem:$0x3FC9]  }
0x91: {  	s18 =	sld [smem:$0x3FD0];
	(tm) =	ssettm $0x1  }
0x92: {  	s4 =	sld [smem:$0x3FFB];
	_ =	sdelay $0x3  }
0x93: {  	_ =	strace s4  }
0x94: {  	s4 =	sld [smem:$0x3FFC];
	_ =	sdelay $0x3  }
0x95: {  	_ =	strace s4  }
0x96: {  	s4 =	sld [smem:$0x3FFD];
	_ =	sdelay $0x3  }
0x97: {  	_ =	strace s4  }
0x98: {  	_ =	strace $0x8FFFFFFF  }
0x99: {  	s19 =	sld [smem:$0x3FDB];
	_ =	sdelay $0x1  }
0x9a: {  	s5 =	simm.s32 $_scs_section_size  }
0x9b: {  	s6 =	simm.s32 $_size__tile_overlayer_lowered;
	s7 =	simm.s32 $_tile_overlayer_lowered  }
0x9c: {  	s22 =	simm.s32 $0x1BFF;
	s21 =	sshll.u32 s7, $0x1;
	s4 =	sadd.s32 s5, s19  }
0x9d: {  	s8 =	simm.s32 $0x0;
	s20 =	sshll.u32 s6, $0x1;
	s6 =	sadd.s32 s21, s4  }
0x9e: {  	[timem:s8], [sflag:s22] =	dma.local [hbm:s6], s20  }
0x9f: {  	_ =	swait.ge [sflag:s22], s20  }
0xa0: {  	s5 =	ssub.s32 $0x0, s20;
	[sflag:s22] =	ssyncset.done $0x0  }
0xa1: {  	[sflag:s22] =	ssyncadd.s32 s5;
	_ =	sdelay $0x1  }
0xa2: {  	s23 =	simm.s32 $0x1B8B  }
0xa3: {  	_ =	swait.ge [sflag:s23], $0x1  }
0xa4: {  	[sflag:s23] =	ssyncset.done $0x0  }
0xa5: {  	s25 =	simm.s32 $0x1B8E;
	s24 =	sld [smem:$0x3FFE];
	[sflag:s23] =	ssyncadd.s32 $0xFFFFFFFF  }
0xa6: {  	s26 =	simm.s32 $execute0_lowered;
	[smem:$0x3FD2] =	sst s25  }
0xa7: {  	s6 =	sshll.u32 s26, $0x1;
	_ =	strace $0x80000046;
	[dreg:$0x1] =	wrdreg $0xFFFFFFFF  }
0xa8: {  	s28 =	simm.s32 $_size_execute0_lowered;
	s4 =	sadd.s32 s4, s6;
	[dreg:$0x0] =	wrdreg $0x0  }
0xa9: {  	s6 =	sshll.u32 s28, $0x1;
	[dreg:$0x2] =	wrdreg s4  }
0xaa: {  	[dreg:$0x3] =	wrdreg s6  }
0xab: {  	[dreg:$0x4] =	wrdreg $0xC0  }
0xac: {  	_ =	task [dreg:s8], $0x5FFFF  }
0xad: {  	[dreg:$0x1] =	wrdreg $0xFFFFFFFF  }
0xae: {  	[dreg:$0x0] =	wrdreg $0x60  }
0xaf: {  	[dreg:$0x2] =	wrdreg s2  }
0xb0: {  	[dreg:$0x3] =	wrdreg s18  }
0xb1: {  	[dreg:$0x4] =	wrdreg s24  }
0xb2: {  	[dreg:$0x5] =	wrdreg $0x9  }
0xb3: {  	_ =	task.clear_ibuf [dreg:s8], $0x6FFFF;
	_ =	strace $0x90000046  }
0xb4: {  	s29 =	simm.s32 $0x9;
	_ =	strace $0x80000048  }
0xb5: {  	_ =	swait.ge [sflag:s29], $0x1  }
0xb6: {  	[sflag:s29] =	ssyncadd.s32 $0xFFFFFFFF  }
0xb7: {  	_ =	strace $0x90000048  }
0xb8: {  	_ =	sfence  }
0xb9: {  	s30 =	sld [smem:$0x0];
	_ =	sdelay $0x2  }
0xba: {  	s31 =	sshll.u32 s1, $0xD;
	s1 =	sshrl.u32 s1, $0x2  }
0xbb: {  	s3 =	sand.u32 $0x4000, s31;
	s1 =	sadd.s32 s1, s30  }
0xbc: {  	s0 =	sor.u32 s3, s0;
	s1 =	sshll.u32 s1, $0x11  }
0xbd: {  	s0 =	sor.u32 s1, s0  }
0xbe: {  	s0 =	sadd.s32 $0x8F2B, s0  }
0xbf: {  	[sflag:s0] =	ssyncadd.remote.s32 $0x1  }
0xc0: {  	_ =	sfence.sel $0xFFFF  }
0xc1: {  	[dreg:$0x0] =	wrdreg $0xFFFFFFFF;
	(pc) =	sbr.abs _section_cstart, $3  }
0xc2: {  	[dreg:$0x1] =	wrdreg $0xFFFFFFFF  }
0xc3: {  	_ =	task.clear_ibuf [dreg:s8], $0x2FFFF;
	_ =	strace $0x9FFFFFFF  }
0xc4: {  	(tm) =	ssettm $0x7FFFFFFF  }
0xc5: {  	_ =	shalt  }
tec
execute0_lowered:
.L_overlay_start_1:
0x0: {  	(tag) =	ssettag $0x1  }
0x1: {  	s0 =	rddreg [dreg:$0x0];
	s1 =	srdreg.scid  }
0x2: {  	s2 =	stileid.u32;
	s6 =	rddreg [dreg:$0x2];
	s3 =	simm.s32 $0x0  }
0x3: {  	s13 =	simm.s32 $0x14A00;
	s14 =	simm.s32 $0x3;
	s15 =	simm.s32 $0x14600  }
0x4: {  	s28 =	simm.s32 $0x2000;
	s24 =	simm.s32 $0xE000;
	s25 =	simm.s32 $0x1  }
0x5: {  	s29 =	simm.s32 $0x2;
	s1 =	sand.u32 $0x1, s1;
	s2 =	sshll.u32 s2, $0x1  }
0x6: {  	[smem:$0x7FF] =	sst s3;
	s2 =	sor.u32 s1, s2;
	s1 =	ssub.s32 $0x2, s1  }
0x7: {  	s5 =	sadd.s32 $0x2000, s6;
	s4 =	smul.u32 $0x1A, s2;
	s30 =	sshrl.u32 s1, $0x1  }
0x8: {  	_ =	strace $0x80000047;
	p0 =	sne.s32 s2, $0x1F;
	s31 =	ssub.s32 s1, s30  }
0x9: {  	s7 =	smin.u32 s4, $0x2F3;
	s4 =	sadd.s32 $0x1E00, s6;
	s12 =	smax.u32 s31, $0x1  }
.Ltmp0:
0xa: {  	s8 =	sshll.u32 s7, $0x6;
	s7 =	sshll.u32 s7, $0x7;
	(pc) =	sbr.rel .LBB2_1-.Ltmp0, $4  }
0xb: {  	s11 =	sadd.s32 s8, s6;
	s6 =	sadd.s32 $0xE600, s6;
	s7 =	sadd.s32 s0, s7  }
0xc: {  	s0 =	simm.s32 $0x0;
	[dreg:$0x4] =	wrdreg s6;
	s8 =	sadd.s32 $0x400, s7  }
0xd: {  	s9 =	sadd.s32 $0x700, s7;
	s10 =	sadd.s32 $0xA00, s7;
	s11 =	sadd.s32 $0x2200, s11  }
0xe: {  	s19 =	sadd.s32 $0x18700, s8;
	s21 =	sadd.s32 $0x30E00, s8;
	s23 =	sadd.s32 $0x49500, s8  }
.LBB2_12:
0xf: {  	v24 =	vld [tilespmem:s1+$0x13A00];
	v27 =	vtrunc.f32 v27;
	v35 =	vadd.f32 v36, v35  }
0x10: {  	v59 =	vld [tilespmem:s1+$0x13F80];
	v37 =	vadd.f32 v38, v37;
	v30 =	vmul.f32 v30, v0;
	v27 =	vcvt.f32.s32 v27  }
0x11: {  	v39 =	vld [tilespmem:s1+$0x13A80];
	v23 =	vmul.f32 v29, v23;
	v25 =	vadd.f32 v34, v25;
	v32 =	vadd.f32 v32, v35  }
0x12: {  	v60 =	vld [tilespmem:s1+$0x13700];
	v31 =	vmul.f32 v31, v8;
	v33 =	vadd.f32 v33, v37  }
0x13: {  	v61 =	vld [tilespmem:s1+$0x13B00];
	v22 =	vmul.f32 v28, v22;
	v23 =	vadd.f32 v23, v25;
	v30 =	vadd.f32 v30, v32  }
0x14: {  	v62 =	vld [tilespmem:s1+$0x13F00];
	v34 =	vadd.f32 v31, v33  }
0x15: {  	v63 =	vld [tilespmem:s1+$0x13B80];
	v22 =	vadd.f32 v22, v23;
	v21 =	vmul.f32 v24, v21;
	v30 =	vand.u32 $0x7FFFFFFF, v30  }
0x16: {  	v37 =	vand.u32 $0x7FFFFFFF, v34;
	v27 =	vld.idx.msk [tilespmem:v27+s15+$0x0], $0xffff;
	[tilespmem:s2+$0x14480] =	vst v30  }
0x17: {  	v19 =	vmul.f32 v39, v19;
	v21 =	vadd.f32 v21, v22;
	v38 =	vld [tilespmem:s1+$0x13C00];
	[tilespmem:s2+$0x14500] =	vst v37  }
0x18: {  	v40 =	vld [tilespmem:s1+$0x13480]  }
0x19: {  	v18 =	vmul.f32 v61, v18;
	v23 =	vld [tilespmem:s1+$0x13C80];
	v19 =	vadd.f32 v19, v21  }
0x1a: {  	v41 =	vld [tilespmem:s1+$0x13500]  }
0x1b: {  	v17 =	vmul.f32 v63, v17;
	v42 =	vld [tilespmem:s1+$0x13D00];
	v18 =	vadd.f32 v18, v19  }
0x1c: {  	v43 =	vld [tilespmem:s1+$0x13580];
	v44 =	vand.u32 $0x7FFFFFFF, v27  }
0x1d: {  	v45 =	vld [tilespmem:s1+$0x13D80];
	v17 =	vadd.f32 v17, v18;
	v16 =	vmul.f32 v38, v16;
	[tilespmem:s2+$0x14400] =	vst v44  }
0x1e: {  	v7 =	vmul.f32 v40, v7;
	v46 =	vld [tilespmem:s1+$0x13600]  }
0x1f: {  	v15 =	vmul.f32 v23, v15;
	v47 =	vld [tilespmem:s1+$0x13E00];
	v16 =	vadd.f32 v16, v17  }
0x20: {  	v6 =	vmul.f32 v41, v6;
	v48 =	vld [tilespmem:s1+$0x13680];
	v7 =	vadd.f32 v7, v20  }
0x21: {  	v14 =	vmul.f32 v42, v14;
	v49 =	vld [tilespmem:s1+$0x13400];
	v15 =	vadd.f32 v15, v16  }
0x22: {  	v5 =	vmul.f32 v43, v5;
	v50 =	vld [tilespmem:s1+$0x13E80];
	v6 =	vadd.f32 v6, v7  }
0x23: {  	v13 =	vmul.f32 v45, v13;
	v14 =	vadd.f32 v14, v15  }
0x24: {  	v4 =	vmul.f32 v46, v4;
	v5 =	vadd.f32 v5, v6  }
0x25: {  	v12 =	vmul.f32 v47, v12;
	v51 =	vadd.f32 v13, v14  }
0x26: {  	v3 =	vmul.f32 v48, v3;
	v52 =	vtrunc.f32 v49;
	v4 =	vadd.f32 v4, v5  }
0x27: {  	v53 =	vld [tilespmem:s1+$0x13800];
	v7 =	vmul.f32 v50, v11;
	v5 =	vcvt.f32.s32 v52;
	v6 =	vadd.f32 v12, v51  }
0x28: {  	v2 =	vmul.f32 v60, v2;
	v54 =	vld [tilespmem:s1+$0x14000];
	v3 =	vadd.f32 v3, v4  }
0x29: {  	v56 =	vmul.f32 v62, v10;
	v55 =	vadd.f32 v7, v6  }
0x2a: {  	v1 =	vmul.f32 v26, v1;
	v2 =	vadd.f32 v2, v3  }
0x2b: {  	v57 =	vmul.f32 v59, v9;
	v4 =	vadd.f32 v56, v55  }
0x2c: {  	v58 =	vmul.f32 v53, v0;
	v1 =	vadd.f32 v1, v2  }
0x2d: {  	v59 =	vmul.f32 v54, v8;
	v60 =	vld.idx.msk [tilespmem:v5+s15+$0x0], $0xffff;
	v3 =	vadd.f32 v57, v4  }
0x2e: {  	v0 =	vadd.f32 v58, v1  }
0x2f: {  	v61 =	vadd.f32 v59, v3  }
0x30: {  	v0 =	vand.u32 $0x7FFFFFFF, v0  }
0x31: {  	[tilespmem:s1+$0x14480] =	vst v0;
	v62 =	vand.u32 $0x7FFFFFFF, v61  }
0x32: {  	v63 =	vand.u32 $0x7FFFFFFF, v60;
	[tilespmem:s1+$0x14500] =	vst v62  }
0x33: {  	s30 =	rddreg [dreg:$0x4];
	s31 =	simm.s32 $0x14400;
	[tilespmem:s1+$0x14400] =	vst v63  }
0x34: {  	[hbm4b:s30+s3] =	stream.linear.scatter [tilespmem:s31], [sflag:$0x3], $0x180, $0x38;
	[tilespmem:$0x14A80] =	vst v63  }
0x35: {  	_ =	swait.ge [sflag:s14], $0x180  }
0x36: {  	[sflag:s14] =	ssyncset.done $0x0  }
0x37: {  	[sflag:s14] =	ssyncadd.s32 $0xFFFFFE80  }
.LBB2_13:
0x38: {  	s0 =	sadd.s32 $0x1, s0  }
0x39: {  	p1 =	sne.s32 s0, s12  }
.Ltmp1:
0x3a: {  	_ = 	snop;
	(pc) =	sbr.rel @!p1 .LBB2_14-.Ltmp1, $1  }
0x3b: {  	_ =	sdelay $0x3  }
.LBB2_1:
0x3c: {  	[tilespmem:s13], [sflag:$0x3] =	stream.linear.gather [hbm4b:s5+s3], $0x80, $0x38;
	[tilespmem:$0x14A80] =	vst v63  }
0x3d: {  	_ =	swait.ge [sflag:s14], $0x80  }
0x3e: {  	[sflag:s14] =	ssyncset.done $0x0  }
0x3f: {  	[sflag:s14] =	ssyncadd.s32 $0xFFFFFF80  }
0x40: {  	[tilespmem:s15], [sflag:$0x3] =	stream.linear.gather [hbm4b:s4+s3], $0x400, $0x38;
	[tilespmem:$0x14A80] =	vst v63  }
0x41: {  	_ =	swait.ge [sflag:s14], $0x400  }
0x42: {  	[sflag:s14] =	ssyncset.done $0x0  }
0x43: {  	[sflag:s14] =	ssyncadd.s32 $0xFFFFFC00  }
0x44: {  	v0 =	vld.msk [tilespmem:s15+$0x0], $0xffff;
	_ =	sdelay $0x4  }
0x45: {  	v0 =	vand.u32 $0x7FFFFFFF, v0  }
0x46: {  	v0 =	vtrunc.f32 v0  }
0x47: {  	v0 =	vcvt.f32.s32 v0;
	_ =	sdelay $0x1  }
0x48: {  	v1 =	vshra.s32 v0, $0x1F  }
0x49: {  	v8 =	vand.u32 v1, v0  }
0x4a: {  	v0 =	vadd.s32 $0x1, v8  }
0x4b: {  	v1 =	vadd.s32 $0x2, v8  }
0x4c: {  	v2 =	vadd.s32 $0x3, v8  }
0x4d: {  	v3 =	vadd.s32 $0x4, v8  }
0x4e: {  	v9 =	vadd.s32 $0x5, v8;
	v7 =	vld.idx.msk [tilespmem:v8+s13+$0x0], $0xffff  }
0x4f: {  	v11 =	vadd.s32 $0x8, v8;
	v6 =	vld.idx.msk [tilespmem:v0+s13+$0x0], $0xffff  }
0x50: {  	v12 =	vadd.s32 $0x9, v8;
	v5 =	vld.idx.msk [tilespmem:v1+s13+$0x0], $0xffff  }
0x51: {  	v13 =	vadd.s32 $0xB, v8;
	v4 =	vld.idx.msk [tilespmem:v2+s13+$0x0], $0xffff  }
0x52: {  	v0 =	vadd.s32 $0x6, v8;
	v3 =	vld.idx.msk [tilespmem:v3+s13+$0x0], $0xffff  }
0x53: {  	v10 =	vadd.s32 $0x7, v8;
	v2 =	vld.idx.msk [tilespmem:v9+s13+$0x0], $0xffff  }
0x54: {  	v9 =	vadd.s32 $0xA, v8;
	v24 =	vld.idx.msk [tilespmem:v11+s13+$0x0], $0xffff  }
0x55: {  	v11 =	vadd.s32 $0xD, v8;
	v23 =	vld.idx.msk [tilespmem:v12+s13+$0x0], $0xffff  }
0x56: {  	v12 =	vadd.s32 $0xE, v8;
	v21 =	vld.idx.msk [tilespmem:v13+s13+$0x0], $0xffff  }
0x57: {  	v13 =	vadd.s32 $0x10, v8;
	v1 =	vld.idx.msk [tilespmem:v0+s13+$0x0], $0xffff  }
0x58: {  	v0 =	vld.idx.msk [tilespmem:v10+s13+$0x0], $0xffff;
	v10 =	vadd.s32 $0xC, v8  }
0x59: {  	v22 =	vld.idx.msk [tilespmem:v9+s13+$0x0], $0xffff;
	v9 =	vadd.s32 $0xF, v8  }
0x5a: {  	v18 =	vld.idx.msk [tilespmem:v11+s13+$0x0], $0xffff;
	v11 =	vadd.s32 $0x12, v8  }
0x5b: {  	v17 =	vld.idx.msk [tilespmem:v12+s13+$0x0], $0xffff;
	v12 =	vadd.s32 $0x13, v8  }
0x5c: {  	v26 =	vadd.s32 $0x17, v8;
	v15 =	vld.idx.msk [tilespmem:v13+s13+$0x0], $0xffff  }
0x5d: {  	v19 =	vld.idx.msk [tilespmem:v10+s13+$0x0], $0xffff;
	v10 =	vadd.s32 $0x11, v8  }
0x5e: {  	v16 =	vld.idx.msk [tilespmem:v9+s13+$0x0], $0xffff;
	v9 =	vadd.s32 $0x14, v8  }
0x5f: {  	v20 =	vadd.s32 $0x15, v8;
	v13 =	vld.idx.msk [tilespmem:v11+s13+$0x0], $0xffff  }
0x60: {  	v25 =	vadd.s32 $0x16, v8;
	v12 =	vld.idx.msk [tilespmem:v12+s13+$0x0], $0xffff  }
0x61: {  	v27 =	vadd.s32 $0x18, v8;
	v28 =	vadd.s32 $0x19, v8;
	v8 =	vld.idx.msk [tilespmem:v26+s13+$0x0], $0xffff  }
0x62: {  	v14 =	vld.idx.msk [tilespmem:v10+s13+$0x0], $0xffff  }
0x63: {  	v11 =	vld.idx.msk [tilespmem:v9+s13+$0x0], $0xffff  }
0x64: {  	v10 =	vld.idx.msk [tilespmem:v20+s13+$0x0], $0xffff  }
0x65: {  	v9 =	vld.idx.msk [tilespmem:v25+s13+$0x0], $0xffff  }
0x66: {  	s1 =	simm.s32 $0xC3800;
	v20 =	vld.idx.msk [tilespmem:v27+s13+$0x0], $0xffff  }
0x67: {  	v25 =	vld.idx.msk [tilespmem:v28+s13+$0x0], $0xffff;
	[tilespmem:s3], [sflag:$0x1] =	stream.strided.gather [hbm4b:s7+s28], $0x8000, s1, s28, $0x38  }
0x68: {  	s20 =	simm.s32 $0x8000  }
0x69: {  	[tilespmem:s20], [sflag:$0x2] =	stream.linear.gather [hbm4b:s8+s3], $0x1800, $0x38;
	[tilespmem:$0x14A80] =	vst v63  }
0x6a: {  	s22 =	simm.s32 $0xA000  }
0x6b: {  	[tilespmem:s22], [sflag:$0x2] =	stream.linear.gather [hbm4b:s19+s3], $0x1800, $0x38;
	[tilespmem:$0x14A80] =	vst v63  }
0x6c: {  	s26 =	simm.s32 $0xC000  }
0x6d: {  	[tilespmem:s26], [sflag:$0x2] =	stream.linear.gather [hbm4b:s21+s3], $0x1800, $0x38;
	[tilespmem:$0x14A80] =	vst v63  }
0x6e: {  	_ = 	snop  }
0x6f: {  	[tilespmem:s24], [sflag:$0x2] =	stream.linear.gather [hbm4b:s23+s3], $0x1800, $0x38;
	[tilespmem:$0x14A80] =	vst v63  }
0x70: {  	s30 =	simm.s32 $0x0;
	_ =	swait.ge [sflag:s25], $0x8000  }
0x71: {  	s6 =	sand.u32 $0x70, s3;
	s1 =	sand.u32 $0x3FFFFC00, s30;
	[sflag:s25] =	ssyncset.done $0x0  }
0x72: {  	s1 =	sor.u32 s6, s1;
	[sflag:s25] =	ssyncadd.s32 $0xFFFF8000  }
0x73: {  	v26 =	vld [tilespmem:s1+$0x2080];
	_ =	sdelay $0x1  }
0x74: {  	v27 =	vld [tilespmem:s1+$0x2100];
	_ =	sdelay $0x1  }
0x75: {  	v28 =	vld [tilespmem:s1+$0x2180]  }
0x76: {  	v26 =	vmul.f32 v26, v24  }
0x77: {  	v29 =	vld [tilespmem:s1+$0x2200]  }
0x78: {  	v27 =	vmul.f32 v27, v23;
	v26 =	vadd.f32 v26, v25  }
0x79: {  	v30 =	vld [tilespmem:s1+$0x2280]  }
0x7a: {  	v26 =	vadd.f32 v27, v26;
	v27 =	vmul.f32 v28, v22  }
0x7b: {  	v28 =	vld [tilespmem:s1+$0x2300]  }
0x7c: {  	v31 =	vld [tilespmem:s1+$0x2380];
	v26 =	vadd.f32 v27, v26;
	v27 =	vmul.f32 v29, v21  }
0x7d: {  	v32 =	vld [tilespmem:s1+$0x80]  }
0x7e: {  	v33 =	vld [tilespmem:s1+$0x100];
	v26 =	vadd.f32 v27, v26;
	v27 =	vmul.f32 v30, v19  }
0x7f: {  	v29 =	vld [tilespmem:s1+$0x4000]  }
0x80: {  	v34 =	vld [tilespmem:s1+$0x180];
	v26 =	vadd.f32 v27, v26;
	v27 =	vmul.f32 v28, v18  }
0x81: {  	v30 =	vld [tilespmem:s1+$0x4080]  }
0x82: {  	v35 =	vld [tilespmem:s1+$0x200];
	v26 =	vadd.f32 v27, v26;
	v27 =	vmul.f32 v31, v17  }
0x83: {  	v32 =	vmul.f32 v32, v7;
	v28 =	vld [tilespmem:s1+$0x4100]  }
0x84: {  	v36 =	vld [tilespmem:s1+$0x280];
	v26 =	vadd.f32 v27, v26;
	v27 =	vmul.f32 v29, v16  }
0x85: {  	v33 =	vmul.f32 v33, v6;
	v32 =	vadd.f32 v32, v20;
	v31 =	vld [tilespmem:s1+$0x4180]  }
0x86: {  	v29 =	vld [tilespmem:s1+$0x0];
	v26 =	vadd.f32 v27, v26;
	v27 =	vmul.f32 v30, v15  }
0x87: {  	v55 =	vmul.f32 v34, v5;
	v32 =	vadd.f32 v33, v32;
	v30 =	vld [tilespmem:s1+$0x4200]  }
0x88: {  	v56 =	vld [tilespmem:s1+$0x300];
	v26 =	vadd.f32 v27, v26;
	v27 =	vmul.f32 v28, v14  }
0x89: {  	v57 =	vmul.f32 v35, v4;
	v32 =	vadd.f32 v55, v32;
	v28 =	vld [tilespmem:s1+$0x4280]  }
0x8a: {  	v58 =	vld [tilespmem:s1+$0x380];
	v26 =	vadd.f32 v27, v26;
	v27 =	vmul.f32 v31, v13  }
0x8b: {  	v59 =	vmul.f32 v36, v3;
	v32 =	vadd.f32 v57, v32;
	v31 =	vld [tilespmem:s1+$0x4300]  }
0x8c: {  	v60 =	vld [tilespmem:s1+$0x4380];
	v29 =	vtrunc.f32 v29;
	v26 =	vadd.f32 v27, v26;
	v27 =	vmul.f32 v30, v12  }
0x8d: {  	v61 =	vmul.f32 v56, v2;
	v32 =	vadd.f32 v59, v32;
	v29 =	vcvt.f32.s32 v29;
	v30 =	vld [tilespmem:s1+$0x2000]  }
0x8e: {  	v26 =	vadd.f32 v27, v26;
	v27 =	vmul.f32 v28, v11  }
0x8f: {  	v62 =	vld [tilespmem:s1+$0x6000];
	v63 =	vmul.f32 v58, v1;
	v28 =	vadd.f32 v61, v32  }
0x90: {  	v26 =	vadd.f32 v27, v26;
	v27 =	vmul.f32 v31, v10  }
0x91: {  	v31 =	vadd.f32 v63, v28  }
0x92: {  	s2 =	simm.s32 $0x1;
	s16 =	simm.s32 $0x0;
	v28 =	vmul.f32 v60, v9;
	v30 =	vmul.f32 v30, v0;
	v27 =	vadd.f32 v27, v26  }
0x93: {  	s17 =	simm.s32 $0x80;
	s16 =	sand.u32 $0x3FFFFE00, s16;
	s1 =	simm.s32 $0x10;
	v26 =	vld.idx.msk [tilespmem:v29+s15+$0x0], $0xffff  }
0x94: {  	s20 =	sor.u32 s6, s16;
	s26 =	simm.s32 $0x2;
	s31 =	sand.u32 $0x70, s1;
	v29 =	vmul.f32 v62, v8;
	v28 =	vadd.f32 v28, v27;
	v27 =	vadd.f32 v30, v31  }
.LBB2_2:
0x95: {  	s18 =	sand.u32 $0x3FFFFC00, s17  }
0x96: {  	s1 =	sadd.s32 $0x10, s1;
	v28 =	vadd.f32 v29, v28;
	s17 =	smov.u32 s26;
	s6 =	sadd.s32 $0x1, s26  }
0x97: {  	s22 =	sadd.s32 $0x10000, s20;
	s16 =	sand.u32 $0x70, s1;
	s18 =	sor.u32 s31, s18;
	v27 =	vand.u32 $0x7FFFFFFF, v27  }
0x98: {  	p1 =	sne.s32 s26, $0x3F;
	v26 =	vand.u32 $0x7FFFFFFF, v26;
	[tilespmem:s22+$0x80] =	vst v27;
	v27 =	vand.u32 $0x7FFFFFFF, v28  }
0x99: {  	[tilespmem:s22+$0x100] =	vst v27  }
0x9a: {  	[tilespmem:s20+$0x10000] =	vst v26  }
0x9b: {  	v26 =	vld [tilespmem:s18+$0x2080]  }
0x9c: {  	v27 =	vld [tilespmem:s18+$0x2180]  }
0x9d: {  	v28 =	vld [tilespmem:s18+$0x2100]  }
0x9e: {  	v29 =	vld [tilespmem:s18+$0x2200];
	_ =	sdelay $0x1  }
0x9f: {  	v26 =	vmul.f32 v26, v24;
	v30 =	vld [tilespmem:s18+$0x2280];
	_ =	sdelay $0x1  }
0xa0: {  	v26 =	vadd.f32 v26, v25;
	v28 =	vmul.f32 v28, v23;
	v31 =	vld [tilespmem:s18+$0x2300];
	_ =	sdelay $0x1  }
0xa1: {  	v27 =	vmul.f32 v27, v22;
	v26 =	vadd.f32 v28, v26;
	v28 =	vld [tilespmem:s18+$0x2380];
	_ =	sdelay $0x1  }
0xa2: {  	v26 =	vadd.f32 v27, v26;
	v27 =	vmul.f32 v29, v21;
	v29 =	vld [tilespmem:s18+$0x4000]  }
0xa3: {  	v32 =	vld [tilespmem:s18+$0x4080]  }
0xa4: {  	v33 =	vld [tilespmem:s18+$0x80];
	v26 =	vadd.f32 v27, v26;
	v27 =	vmul.f32 v30, v19  }
0xa5: {  	v30 =	vld [tilespmem:s18+$0x4100]  }
0xa6: {  	v34 =	vld [tilespmem:s18+$0x100];
	v26 =	vadd.f32 v27, v26;
	v27 =	vmul.f32 v31, v18  }
0xa7: {  	v31 =	vld [tilespmem:s18+$0x4180]  }
0xa8: {  	v35 =	vld [tilespmem:s18+$0x180];
	v26 =	vadd.f32 v27, v26;
	v27 =	vmul.f32 v28, v17  }
0xa9: {  	v28 =	vld [tilespmem:s18+$0x0];
	v33 =	vmul.f32 v33, v7  }
0xaa: {  	v36 =	vld [tilespmem:s18+$0x200];
	v26 =	vadd.f32 v27, v26;
	v27 =	vmul.f32 v29, v16  }
0xab: {  	v29 =	vadd.f32 v33, v20;
	v33 =	vmul.f32 v34, v6;
	v34 =	vld [tilespmem:s18+$0x4200]  }
0xac: {  	v37 =	vld [tilespmem:s18+$0x280];
	v26 =	vadd.f32 v27, v26;
	v27 =	vmul.f32 v32, v15  }
0xad: {  	v29 =	vadd.f32 v33, v29;
	v32 =	vmul.f32 v35, v5;
	v33 =	vld [tilespmem:s18+$0x4280]  }
0xae: {  	v28 =	vtrunc.f32 v28;
	v35 =	vld [tilespmem:s18+$0x300];
	v26 =	vadd.f32 v27, v26;
	v27 =	vmul.f32 v30, v14  }
0xaf: {  	v28 =	vcvt.f32.s32 v28;
	v29 =	vadd.f32 v32, v29;
	v30 =	vmul.f32 v36, v4;
	v32 =	vld [tilespmem:s18+$0x4300]  }
0xb0: {  	v36 =	vld [tilespmem:s18+$0x380];
	v26 =	vadd.f32 v27, v26;
	v27 =	vmul.f32 v31, v13  }
0xb1: {  	v29 =	vadd.f32 v30, v29;
	v30 =	vmul.f32 v37, v3;
	v31 =	vld [tilespmem:s18+$0x4380]  }
0xb2: {  	v37 =	vld [tilespmem:s18+$0x2000];
	v26 =	vadd.f32 v27, v26;
	v27 =	vmul.f32 v34, v12  }
0xb3: {  	v29 =	vadd.f32 v30, v29;
	v30 =	vmul.f32 v35, v2;
	v34 =	vld [tilespmem:s18+$0x6000]  }
0xb4: {  	v26 =	vadd.f32 v27, v26;
	v27 =	vmul.f32 v33, v11  }
0xb5: {  	v29 =	vadd.f32 v30, v29;
	v30 =	vmul.f32 v36, v1  }
0xb6: {  	v32 =	vmul.f32 v32, v10;
	v27 =	vadd.f32 v27, v26  }
.Ltmp2:
0xb7: {  	v30 =	vadd.f32 v30, v29;
	v33 =	vmul.f32 v37, v0;
	(pc) =	sbr.rel @p1 .LBB2_2-.Ltmp2, $4  }
0xb8: {  	v26 =	vld.idx.msk [tilespmem:v28+s15+$0x0], $0xffff;
	v27 =	vadd.f32 v32, v27;
	v28 =	vmul.f32 v31, v9  }
0xb9: {  	s18 =	sshll.u32 s2, $0x6;
	s2 =	smov.u32 s17  }
0xba: {  	s26 =	smov.u32 s6;
	s18 =	sand.u32 $0x3FFFFE00, s18;
	v29 =	vmul.f32 v34, v8;
	v28 =	vadd.f32 v28, v27  }
0xbb: {  	s17 =	sshll.u32 s2, $0x7;
	s20 =	sor.u32 s31, s18;
	s31 =	smov.u32 s16;
	v27 =	vadd.f32 v33, v30  }
0xbc: {  	_ = 	snop  }
0xbd: {  	v28 =	vadd.f32 v29, v28;
	s1 =	sadd.s32 $0x10000, s20;
	v27 =	vand.u32 $0x7FFFFFFF, v27  }
0xbe: {  	v26 =	vand.u32 $0x7FFFFFFF, v26;
	[tilespmem:s1+$0x80] =	vst v27  }
0xbf: {  	s6 =	sand.u32 $0x3FFFFC00, s17;
	v27 =	vand.u32 $0x7FFFFFFF, v28;
	[tilespmem:s20+$0x10000] =	vst v26  }
0xc0: {  	s18 =	sor.u32 s31, s6;
	[tilespmem:s1+$0x100] =	vst v27  }
0xc1: {  	v26 =	vld [tilespmem:s18+$0x2080];
	_ =	sdelay $0x1  }
0xc2: {  	v27 =	vld [tilespmem:s18+$0x2100];
	_ =	sdelay $0x1  }
0xc3: {  	v28 =	vld [tilespmem:s18+$0x2180]  }
0xc4: {  	v26 =	vmul.f32 v26, v24  }
0xc5: {  	v29 =	vld [tilespmem:s18+$0x2200]  }
0xc6: {  	v27 =	vmul.f32 v27, v23;
	v26 =	vadd.f32 v26, v25  }
0xc7: {  	v30 =	vld [tilespmem:s18+$0x2280]  }
0xc8: {  	v26 =	vadd.f32 v27, v26;
	v27 =	vmul.f32 v28, v22  }
0xc9: {  	v28 =	vld [tilespmem:s18+$0x2300]  }
0xca: {  	v26 =	vadd.f32 v27, v26;
	v27 =	vmul.f32 v29, v21  }
0xcb: {  	v29 =	vld [tilespmem:s18+$0x2380]  }
0xcc: {  	v31 =	vld [tilespmem:s18+$0x4000];
	v26 =	vadd.f32 v27, v26;
	v27 =	vmul.f32 v30, v19  }
0xcd: {  	v32 =	vld [tilespmem:s18+$0x80]  }
0xce: {  	v33 =	vld [tilespmem:s18+$0x100];
	v26 =	vadd.f32 v27, v26;
	v27 =	vmul.f32 v28, v18  }
0xcf: {  	v30 =	vld [tilespmem:s18+$0x4080]  }
0xd0: {  	v34 =	vld [tilespmem:s18+$0x180];
	v26 =	vadd.f32 v27, v26;
	v27 =	vmul.f32 v29, v17  }
0xd1: {  	v28 =	vld [tilespmem:s18+$0x4100]  }
0xd2: {  	v35 =	vld [tilespmem:s18+$0x200];
	v26 =	vadd.f32 v27, v26;
	v27 =	vmul.f32 v31, v16  }
0xd3: {  	v32 =	vmul.f32 v32, v7;
	v29 =	vld [tilespmem:s18+$0x4180]  }
0xd4: {  	v52 =	vld [tilespmem:s18+$0x4200];
	v26 =	vadd.f32 v27, v26;
	v27 =	vmul.f32 v30, v15  }
0xd5: {  	v51 =	vmul.f32 v33, v6;
	v31 =	vld [tilespmem:s18+$0x0];
	v30 =	vadd.f32 v32, v20  }
0xd6: {  	v36 =	vld [tilespmem:s18+$0x280];
	v26 =	vadd.f32 v27, v26;
	v27 =	vmul.f32 v28, v14  }
0xd7: {  	v53 =	vld [tilespmem:s18+$0x4280];
	v28 =	vadd.f32 v51, v30;
	v30 =	vmul.f32 v34, v5  }
0xd8: {  	v54 =	vld [tilespmem:s18+$0x300];
	v26 =	vadd.f32 v27, v26;
	v27 =	vmul.f32 v29, v13  }
0xd9: {  	v28 =	vadd.f32 v30, v28;
	v29 =	vmul.f32 v35, v4;
	v30 =	vld [tilespmem:s18+$0x4300]  }
0xda: {  	v55 =	vld [tilespmem:s18+$0x380];
	v31 =	vtrunc.f32 v31;
	v26 =	vadd.f32 v27, v26;
	v27 =	vmul.f32 v52, v12  }
0xdb: {  	v56 =	vld [tilespmem:s18+$0x4380];
	v31 =	vcvt.f32.s32 v31;
	v28 =	vadd.f32 v29, v28;
	v29 =	vmul.f32 v36, v3  }
0xdc: {  	v57 =	vld [tilespmem:s18+$0x2000];
	v26 =	vadd.f32 v27, v26;
	v27 =	vmul.f32 v53, v11  }
0xdd: {  	v28 =	vadd.f32 v29, v28;
	v29 =	vmul.f32 v54, v2  }
0xde: {  	v58 =	vld [tilespmem:s18+$0x6000];
	v26 =	vadd.f32 v27, v26;
	v27 =	vmul.f32 v30, v10  }
0xdf: {  	v28 =	vadd.f32 v29, v28;
	v29 =	vmul.f32 v55, v1  }
0xe0: {  	v26 =	vadd.f32 v27, v26  }
0xe1: {  	v30 =	vld.idx.msk [tilespmem:v31+s15+$0x0], $0xffff;
	v27 =	vmul.f32 v56, v9;
	v28 =	vadd.f32 v29, v28;
	v29 =	vmul.f32 v57, v0  }
0xe2: {  	s22 =	sshll.u32 s2, $0x6  }
0xe3: {  	s1 =	sand.u32 $0x3FFFFE00, s22;
	v26 =	vadd.f32 v27, v26;
	v27 =	vmul.f32 v58, v8;
	v28 =	vadd.f32 v29, v28  }
0xe4: {  	s1 =	sor.u32 s31, s1  }
0xe5: {  	s26 =	sadd.s32 $0x10000, s1;
	v26 =	vadd.f32 v27, v26;
	v27 =	vand.u32 $0x7FFFFFFF, v28  }
0xe6: {  	[tilespmem:s26+$0x80] =	vst v27;
	v27 =	vand.u32 $0x7FFFFFFF, v30  }
0xe7: {  	v26 =	vand.u32 $0x7FFFFFFF, v26;
	[tilespmem:s1+$0x10000] =	vst v27  }
0xe8: {  	s2 =	simm.s32 $0x0;
	[tilespmem:s26+$0x100] =	vst v26  }
0xe9: {  	[tilespmem:s2], [sflag:$0x1] =	stream.linear.gather [hbm4b:s9+s2], $0x1800, $0x38;
	[tilespmem:$0x14A80] =	vst v63  }
0xea: {  	s6 =	sadd.s32 $0x18700, s9  }
0xeb: {  	[tilespmem:s28], [sflag:$0x1] =	stream.linear.gather [hbm4b:s6+s2], $0x1800, $0x38;
	[tilespmem:$0x14A80] =	vst v63  }
0xec: {  	s16 =	sadd.s32 $0x30E00, s9;
	s17 =	simm.s32 $0x4000  }
0xed: {  	[tilespmem:s17], [sflag:$0x1] =	stream.linear.gather [hbm4b:s16+s2], $0x1800, $0x38;
	[tilespmem:$0x14A80] =	vst v63  }
0xee: {  	s20 =	simm.s32 $0x6000;
	s18 =	sadd.s32 $0x49500, s9  }
0xef: {  	[tilespmem:s20], [sflag:$0x1] =	stream.linear.gather [hbm4b:s18+s2], $0x1800, $0x38;
	[tilespmem:$0x14A80] =	vst v63  }
0xf0: {  	_ =	swait.ge [sflag:s29], $0x6000  }
0xf1: {  	s22 =	sand.u32 $0x1C00, s2;
	s31 =	sand.u32 $0x70, s2;
	[sflag:s29] =	ssyncset.done $0x0  }
0xf2: {  	s17 =	sor.u32 s31, s22;
	[sflag:s29] =	ssyncadd.s32 $0xFFFFA000  }
0xf3: {  	v26 =	vld [tilespmem:s17+$0xA080];
	_ =	sdelay $0x1  }
0xf4: {  	v27 =	vld [tilespmem:s17+$0xA100];
	_ =	sdelay $0x1  }
0xf5: {  	v28 =	vld [tilespmem:s17+$0xA180]  }
0xf6: {  	v26 =	vmul.f32 v26, v24  }
0xf7: {  	v29 =	vld [tilespmem:s17+$0xA200]  }
0xf8: {  	v27 =	vmul.f32 v27, v23;
	v26 =	vadd.f32 v26, v25  }
0xf9: {  	v30 =	vld [tilespmem:s17+$0xA280]  }
0xfa: {  	v28 =	vmul.f32 v28, v22;
	v26 =	vadd.f32 v27, v26  }
0xfb: {  	v27 =	vld [tilespmem:s17+$0xA300]  }
0xfc: {  	v31 =	vld [tilespmem:s17+$0x8000];
	v29 =	vmul.f32 v29, v21;
	v26 =	vadd.f32 v28, v26  }
0xfd: {  	v28 =	vld [tilespmem:s17+$0xA380]  }
0xfe: {  	v60 =	vld [tilespmem:s17+$0xC000];
	v59 =	vmul.f32 v30, v19;
	v26 =	vadd.f32 v29, v26  }
0xff: {  	v61 =	vld [tilespmem:s17+$0xC080]  }
0x100: {  	v30 =	vld [tilespmem:s17+$0x8080];
	v62 =	vmul.f32 v27, v18;
	v26 =	vadd.f32 v59, v26  }
0x101: {  	v29 =	vld [tilespmem:s17+$0x8100]  }
0x102: {  	s30 =	simm.s32 $0x80;
	s26 =	simm.s32 $0x10;
	v27 =	vld [tilespmem:s17+$0xC100];
	v63 =	vmul.f32 v28, v17;
	v34 =	vadd.f32 v62, v26  }
0x103: {  	s1 =	sand.u32 $0x70, s26;
	s28 =	sor.u32 s2, s2;
	s6 =	sor.u32 s30, s26;
	v32 =	vmul.f32 v60, v16;
	v28 =	vtrunc.f32 v31;
	v31 =	vld [tilespmem:s17+$0x8180]  }
0x104: {  	s26 =	simm.s32 $0x0;
	s16 =	simm.s32 $0x20;
	s20 =	sand.u32 $0x1C00, s30;
	v33 =	vmul.f32 v61, v15;
	v26 =	vcvt.f32.s32 v28;
	v28 =	vld [tilespmem:s17+$0xC180];
	v34 =	vadd.f32 v63, v34  }
.LBB2_4:
0x105: {  	s20 =	sor.u32 s1, s20  }
0x106: {  	v30 =	vmul.f32 v30, v7;
	v35 =	vld [tilespmem:s17+$0xC200];
	s2 =	sadd.s32 $0x40, s2;
	s18 =	smov.u32 s16;
	s22 =	sadd.s32 $0x10, s16  }
0x107: {  	p1 =	sne.s32 s16, $0x2F0;
	v36 =	vld [tilespmem:s17+$0x8200];
	v32 =	vadd.f32 v32, v34  }
0x108: {  	v27 =	vmul.f32 v27, v14;
	v30 =	vadd.f32 v30, v20;
	v29 =	vmul.f32 v29, v6;
	v34 =	vld [tilespmem:s17+$0xC280]  }
0x109: {  	v37 =	vld [tilespmem:s17+$0x8280];
	v32 =	vadd.f32 v33, v32  }
0x10a: {  	v28 =	vmul.f32 v28, v13;
	v29 =	vadd.f32 v29, v30;
	v30 =	vmul.f32 v31, v5;
	v31 =	vld [tilespmem:s17+$0xC300]  }
0x10b: {  	v33 =	vld [tilespmem:s17+$0x8300];
	v27 =	vadd.f32 v27, v32  }
0x10c: {  	s16 =	sor.u32 $0x380, s28;
	s28 =	smov.u32 s6;
	v32 =	vmul.f32 v35, v12;
	v29 =	vadd.f32 v30, v29;
	v30 =	vmul.f32 v36, v4;
	v35 =	vld [tilespmem:s17+$0xC380]  }
0x10d: {  	v36 =	vld [tilespmem:s16+$0x8000];
	v27 =	vadd.f32 v28, v27  }
0x10e: {  	v28 =	vadd.f32 v30, v29;
	v29 =	vmul.f32 v37, v3;
	v30 =	vmul.f32 v34, v11;
	v34 =	vld [tilespmem:s17+$0xE000]  }
0x10f: {  	v37 =	vld [tilespmem:s17+$0xA000];
	v27 =	vadd.f32 v32, v27;
	s17 =	smov.u32 s20  }
0x110: {  	v31 =	vmul.f32 v31, v10;
	v28 =	vadd.f32 v29, v28;
	v29 =	vmul.f32 v33, v2  }
0x111: {  	v26 =	vld.idx.msk [tilespmem:v26+s15+$0x0], $0xffff;
	v27 =	vadd.f32 v30, v27  }
0x112: {  	v30 =	vmul.f32 v35, v9;
	v28 =	vadd.f32 v29, v28;
	v29 =	vmul.f32 v36, v1  }
0x113: {  	v27 =	vadd.f32 v31, v27  }
0x114: {  	v31 =	vmul.f32 v34, v8;
	v28 =	vadd.f32 v29, v28;
	v29 =	vmul.f32 v37, v0  }
0x115: {  	v27 =	vadd.f32 v30, v27  }
0x116: {  	s6 =	sand.u32 $0xE00, s26;
	s26 =	smov.u32 s2;
	v28 =	vadd.f32 v29, v28  }
0x117: {  	s6 =	sor.u32 s31, s6;
	s31 =	smov.u32 s1;
	v26 =	vand.u32 $0x7FFFFFFF, v26;
	v27 =	vadd.f32 v31, v27  }
0x118: {  	[tilespmem:s6+$0x11000] =	vst v26;
	v26 =	vand.u32 $0x7FFFFFFF, v28  }
0x119: {  	[tilespmem:s6+$0x11080] =	vst v26;
	v26 =	vand.u32 $0x7FFFFFFF, v27  }
0x11a: {  	[tilespmem:s6+$0x11100] =	vst v26  }
0x11b: {  	v26 =	vld [tilespmem:s17+$0xA080]  }
0x11c: {  	v27 =	vld [tilespmem:s17+$0xA100];
	_ =	sdelay $0x1  }
0x11d: {  	v28 =	vld [tilespmem:s17+$0xA180];
	_ =	sdelay $0x1  }
0x11e: {  	v26 =	vmul.f32 v26, v24;
	v29 =	vld [tilespmem:s17+$0xA200]  }
0x11f: {  	v27 =	vmul.f32 v27, v23  }
0x120: {  	v26 =	vadd.f32 v26, v25;
	v30 =	vld [tilespmem:s17+$0xA280]  }
0x121: {  	v28 =	vmul.f32 v28, v22  }
0x122: {  	v26 =	vadd.f32 v27, v26;
	v27 =	vld [tilespmem:s17+$0xA300]  }
0x123: {  	v29 =	vmul.f32 v29, v21  }
0x124: {  	v26 =	vadd.f32 v28, v26;
	v28 =	vld [tilespmem:s17+$0xA380]  }
0x125: {  	v31 =	vld [tilespmem:s17+$0x8000];
	v32 =	vmul.f32 v30, v19  }
0x126: {  	v26 =	vadd.f32 v29, v26;
	v33 =	vld [tilespmem:s17+$0xC000]  }
0x127: {  	v34 =	vmul.f32 v27, v18;
	v35 =	vld [tilespmem:s17+$0xC080]  }
.Ltmp3:
0x128: {  	v30 =	vld [tilespmem:s17+$0x8080];
	v26 =	vadd.f32 v32, v26;
	(pc) =	sbr.rel @p1 .LBB2_4-.Ltmp3, $4  }
0x129: {  	v36 =	vmul.f32 v28, v17;
	v27 =	vld [tilespmem:s17+$0xC100]  }
0x12a: {  	v28 =	vtrunc.f32 v31;
	v29 =	vld [tilespmem:s17+$0x8100];
	v34 =	vadd.f32 v34, v26  }
0x12b: {  	s30 =	sadd.s32 $0x80, s30;
	s1 =	sand.u32 $0x70, s18;
	v26 =	vcvt.f32.s32 v28;
	v32 =	vmul.f32 v33, v16;
	v28 =	vld [tilespmem:s17+$0xC180]  }
0x12c: {  	s16 =	smov.u32 s22;
	s20 =	sand.u32 $0x1C00, s30;
	s6 =	sor.u32 s30, s18;
	v31 =	vld [tilespmem:s17+$0x8180];
	v34 =	vadd.f32 v36, v34;
	v33 =	vmul.f32 v35, v15  }
0x12d: {  	v30 =	vmul.f32 v30, v7  }
0x12e: {  	v35 =	vld [tilespmem:s17+$0x8200];
	v32 =	vadd.f32 v32, v34  }
0x12f: {  	v40 =	vld [tilespmem:s17+$0xC200];
	v30 =	vadd.f32 v30, v20;
	v29 =	vmul.f32 v29, v6  }
0x130: {  	v36 =	vld [tilespmem:s17+$0x8280];
	v27 =	vmul.f32 v27, v14;
	v32 =	vadd.f32 v33, v32  }
0x131: {  	v41 =	vld [tilespmem:s17+$0xC280];
	v29 =	vadd.f32 v29, v30;
	v30 =	vmul.f32 v31, v5  }
0x132: {  	v28 =	vmul.f32 v28, v13;
	v31 =	vld [tilespmem:s17+$0x8300];
	v27 =	vadd.f32 v27, v32  }
0x133: {  	v42 =	vld [tilespmem:s17+$0xC300];
	s16 =	sor.u32 $0x380, s28;
	v29 =	vadd.f32 v30, v29;
	v30 =	vmul.f32 v35, v4  }
0x134: {  	v43 =	vld [tilespmem:s16+$0x8000];
	v34 =	vmul.f32 v40, v12;
	v27 =	vadd.f32 v28, v27  }
0x135: {  	v28 =	vld [tilespmem:s17+$0xC380];
	v29 =	vadd.f32 v30, v29;
	v30 =	vmul.f32 v36, v3  }
0x136: {  	v44 =	vld [tilespmem:s17+$0xA000];
	v33 =	vmul.f32 v41, v11;
	v27 =	vadd.f32 v34, v27  }
0x137: {  	v45 =	vld [tilespmem:s17+$0xE000];
	v29 =	vadd.f32 v30, v29;
	v30 =	vmul.f32 v31, v2  }
0x138: {  	v31 =	vmul.f32 v42, v10;
	v27 =	vadd.f32 v33, v27  }
0x139: {  	v26 =	vld.idx.msk [tilespmem:v26+s15+$0x0], $0xffff;
	v29 =	vadd.f32 v30, v29;
	v30 =	vmul.f32 v43, v1  }
0x13a: {  	v28 =	vmul.f32 v28, v9;
	v27 =	vadd.f32 v31, v27  }
0x13b: {  	v29 =	vadd.f32 v30, v29;
	v30 =	vmul.f32 v44, v0  }
0x13c: {  	v31 =	vmul.f32 v45, v8;
	v27 =	vadd.f32 v28, v27  }
0x13d: {  	s17 =	sand.u32 $0xE00, s26;
	v28 =	vadd.f32 v30, v29  }
0x13e: {  	v26 =	vand.u32 $0x7FFFFFFF, v26;
	s18 =	sor.u32 s31, s17;
	v27 =	vadd.f32 v31, v27  }
0x13f: {  	[tilespmem:s18+$0x11000] =	vst v26;
	v26 =	vand.u32 $0x7FFFFFFF, v28  }
0x140: {  	[tilespmem:s18+$0x11080] =	vst v26;
	v26 =	vand.u32 $0x7FFFFFFF, v27  }
0x141: {  	s20 =	sor.u32 s1, s20;
	[tilespmem:s18+$0x11100] =	vst v26  }
0x142: {  	v26 =	vld [tilespmem:s20+$0xA080];
	_ =	sdelay $0x1  }
0x143: {  	v27 =	vld [tilespmem:s20+$0xA100];
	_ =	sdelay $0x1  }
0x144: {  	v28 =	vld [tilespmem:s20+$0xA180]  }
0x145: {  	v26 =	vmul.f32 v26, v24  }
0x146: {  	v29 =	vld [tilespmem:s20+$0xA200]  }
0x147: {  	v27 =	vmul.f32 v27, v23;
	v26 =	vadd.f32 v26, v25  }
0x148: {  	v30 =	vld [tilespmem:s20+$0xA280]  }
0x149: {  	v28 =	vmul.f32 v28, v22;
	v26 =	vadd.f32 v27, v26  }
0x14a: {  	v27 =	vld [tilespmem:s20+$0xA300]  }
0x14b: {  	v29 =	vmul.f32 v29, v21;
	v26 =	vadd.f32 v28, v26  }
0x14c: {  	v28 =	vld [tilespmem:s20+$0xA380]  }
0x14d: {  	v31 =	vld [tilespmem:s20+$0x8000];
	v30 =	vmul.f32 v30, v19;
	v26 =	vadd.f32 v29, v26  }
0x14e: {  	v29 =	vld [tilespmem:s20+$0xC000]  }
0x14f: {  	v46 =	vld [tilespmem:s20+$0x8080];
	v27 =	vmul.f32 v27, v18;
	v26 =	vadd.f32 v30, v26  }
0x150: {  	v30 =	vld [tilespmem:s20+$0xC080]  }
0x151: {  	v47 =	vld [tilespmem:s20+$0x8100];
	v28 =	vmul.f32 v28, v17;
	v26 =	vadd.f32 v27, v26  }
0x152: {  	v27 =	vld [tilespmem:s20+$0xC100]  }
0x153: {  	v48 =	vld [tilespmem:s20+$0x8180];
	v29 =	vmul.f32 v29, v16;
	v26 =	vadd.f32 v28, v26  }
0x154: {  	v32 =	vmul.f32 v46, v7;
	v28 =	vld [tilespmem:s20+$0xC180]  }
0x155: {  	v49 =	vld [tilespmem:s20+$0x8200];
	v30 =	vmul.f32 v30, v15;
	v26 =	vadd.f32 v29, v26  }
0x156: {  	v33 =	vmul.f32 v47, v6;
	v32 =	vadd.f32 v32, v20;
	v29 =	vld [tilespmem:s20+$0xC200]  }
0x157: {  	v50 =	vld [tilespmem:s20+$0x8280];
	v27 =	vmul.f32 v27, v14;
	v26 =	vadd.f32 v30, v26  }
0x158: {  	v51 =	vmul.f32 v48, v5;
	v32 =	vadd.f32 v33, v32;
	v30 =	vld [tilespmem:s20+$0xC280]  }
0x159: {  	v52 =	vld [tilespmem:s20+$0x8300];
	v31 =	vtrunc.f32 v31;
	v28 =	vmul.f32 v28, v13;
	v26 =	vadd.f32 v27, v26  }
0x15a: {  	s6 =	sor.u32 $0x380, s6;
	v53 =	vmul.f32 v49, v4;
	v32 =	vadd.f32 v51, v32;
	v27 =	vcvt.f32.s32 v31;
	v31 =	vld [tilespmem:s20+$0xC300]  }
0x15b: {  	v54 =	vld [tilespmem:s6+$0x8000];
	v29 =	vmul.f32 v29, v12;
	v26 =	vadd.f32 v28, v26  }
0x15c: {  	v55 =	vmul.f32 v50, v3;
	v32 =	vadd.f32 v53, v32;
	v28 =	vld [tilespmem:s20+$0xC380]  }
0x15d: {  	v56 =	vld [tilespmem:s20+$0xA000];
	v30 =	vmul.f32 v30, v11;
	v26 =	vadd.f32 v29, v26  }
0x15e: {  	v57 =	vmul.f32 v52, v2;
	v32 =	vadd.f32 v55, v32;
	v29 =	vld [tilespmem:s20+$0xE000]  }
0x15f: {  	v31 =	vmul.f32 v31, v10;
	v26 =	vadd.f32 v30, v26  }
0x160: {  	v58 =	vmul.f32 v54, v1;
	v27 =	vld.idx.msk [tilespmem:v27+s15+$0x0], $0xffff;
	v30 =	vadd.f32 v57, v32  }
0x161: {  	v28 =	vmul.f32 v28, v9;
	v26 =	vadd.f32 v31, v26  }
0x162: {  	v30 =	vadd.f32 v58, v30;
	v31 =	vmul.f32 v56, v0  }
0x163: {  	s2 =	sadd.s32 $0x40, s2;
	v29 =	vmul.f32 v29, v8;
	v26 =	vadd.f32 v28, v26  }
0x164: {  	s2 =	sand.u32 $0xE00, s2;
	v28 =	vadd.f32 v31, v30  }
0x165: {  	s22 =	sor.u32 s1, s2;
	v27 =	vand.u32 $0x7FFFFFFF, v27;
	v26 =	vadd.f32 v29, v26  }
0x166: {  	[tilespmem:s22+$0x11000] =	vst v27;
	v27 =	vand.u32 $0x7FFFFFFF, v28  }
0x167: {  	[tilespmem:s22+$0x11080] =	vst v27;
	v26 =	vand.u32 $0x7FFFFFFF, v26  }
0x168: {  	s2 =	simm.s32 $0x0;
	s26 =	simm.s32 $0x8000;
	[tilespmem:s22+$0x11100] =	vst v26  }
0x169: {  	[tilespmem:s26], [sflag:$0x2] =	stream.linear.gather [hbm4b:s10+s2], $0x1800, $0x38;
	[tilespmem:$0x14A80] =	vst v63  }
0x16a: {  	s16 =	simm.s32 $0xA000;
	s6 =	sadd.s32 $0x18700, s10  }
0x16b: {  	[tilespmem:s16], [sflag:$0x2] =	stream.linear.gather [hbm4b:s6+s2], $0x1800, $0x38;
	[tilespmem:$0x14A80] =	vst v63  }
0x16c: {  	s17 =	sadd.s32 $0x30E00, s10;
	s18 =	simm.s32 $0xC000  }
0x16d: {  	[tilespmem:s18], [sflag:$0x2] =	stream.linear.gather [hbm4b:s17+s2], $0x1800, $0x38;
	[tilespmem:$0x14A80] =	vst v63  }
0x16e: {  	s20 =	sadd.s32 $0x49500, s10  }
0x16f: {  	[tilespmem:s24], [sflag:$0x2] =	stream.linear.gather [hbm4b:s20+s2], $0x1800, $0x38;
	[tilespmem:$0x14A80] =	vst v63  }
0x170: {  	_ =	swait.ge [sflag:s25], $0x6000  }
0x171: {  	s31 =	sand.u32 $0x70, s2;
	s22 =	sand.u32 $0x1C00, s2;
	[sflag:s25] =	ssyncset.done $0x0  }
0x172: {  	s17 =	sor.u32 s31, s22;
	[sflag:s25] =	ssyncadd.s32 $0xFFFFA000  }
0x173: {  	v26 =	vld [tilespmem:s17+$0x2080];
	_ =	sdelay $0x1  }
0x174: {  	v27 =	vld [tilespmem:s17+$0x2100];
	_ =	sdelay $0x1  }
0x175: {  	v28 =	vld [tilespmem:s17+$0x2180]  }
0x176: {  	v26 =	vmul.f32 v26, v24  }
0x177: {  	v29 =	vld [tilespmem:s17+$0x2200]  }
0x178: {  	v27 =	vmul.f32 v27, v23;
	v26 =	vadd.f32 v26, v25  }
0x179: {  	v30 =	vld [tilespmem:s17+$0x2280]  }
0x17a: {  	v28 =	vmul.f32 v28, v22;
	v26 =	vadd.f32 v27, v26  }
0x17b: {  	v27 =	vld [tilespmem:s17+$0x2300]  }
0x17c: {  	v31 =	vld [tilespmem:s17+$0x0];
	v29 =	vmul.f32 v29, v21;
	v26 =	vadd.f32 v28, v26  }
0x17d: {  	v28 =	vld [tilespmem:s17+$0x2380]  }
0x17e: {  	v60 =	vld [tilespmem:s17+$0x4000];
	v59 =	vmul.f32 v30, v19;
	v26 =	vadd.f32 v29, v26  }
0x17f: {  	v61 =	vld [tilespmem:s17+$0x4080]  }
0x180: {  	v30 =	vld [tilespmem:s17+$0x80];
	v62 =	vmul.f32 v27, v18;
	v26 =	vadd.f32 v59, v26  }
0x181: {  	v29 =	vld [tilespmem:s17+$0x100]  }
0x182: {  	s30 =	simm.s32 $0x80;
	s26 =	simm.s32 $0x10;
	v27 =	vld [tilespmem:s17+$0x4100];
	v63 =	vmul.f32 v28, v17;
	v34 =	vadd.f32 v62, v26  }
0x183: {  	s28 =	sor.u32 s2, s2;
	s1 =	sand.u32 $0x70, s26;
	s6 =	sor.u32 s30, s26;
	v32 =	vmul.f32 v60, v16;
	v28 =	vtrunc.f32 v31;
	v31 =	vld [tilespmem:s17+$0x180]  }
0x184: {  	s26 =	simm.s32 $0x0;
	s22 =	simm.s32 $0x20;
	s20 =	sand.u32 $0x1C00, s30;
	v33 =	vmul.f32 v61, v15;
	v26 =	vcvt.f32.s32 v28;
	v28 =	vld [tilespmem:s17+$0x4180];
	v34 =	vadd.f32 v63, v34  }
.LBB2_6:
0x185: {  	s20 =	sor.u32 s1, s20  }
0x186: {  	v30 =	vmul.f32 v30, v7;
	v35 =	vld [tilespmem:s17+$0x4200];
	s2 =	sadd.s32 $0x40, s2;
	s18 =	smov.u32 s22;
	s16 =	sadd.s32 $0x10, s22  }
0x187: {  	p1 =	sne.s32 s22, $0x2F0;
	v36 =	vld [tilespmem:s17+$0x200];
	v32 =	vadd.f32 v32, v34  }
0x188: {  	v27 =	vmul.f32 v27, v14;
	v30 =	vadd.f32 v30, v20;
	v29 =	vmul.f32 v29, v6;
	v34 =	vld [tilespmem:s17+$0x4280]  }
0x189: {  	v37 =	vld [tilespmem:s17+$0x280];
	v32 =	vadd.f32 v33, v32  }
0x18a: {  	v28 =	vmul.f32 v28, v13;
	v29 =	vadd.f32 v29, v30;
	v30 =	vmul.f32 v31, v5;
	v31 =	vld [tilespmem:s17+$0x4300]  }
0x18b: {  	v33 =	vld [tilespmem:s17+$0x300];
	v27 =	vadd.f32 v27, v32  }
0x18c: {  	s22 =	sor.u32 $0x380, s28;
	s28 =	smov.u32 s6;
	v32 =	vmul.f32 v35, v12;
	v29 =	vadd.f32 v30, v29;
	v30 =	vmul.f32 v36, v4;
	v35 =	vld [tilespmem:s17+$0x4380]  }
0x18d: {  	v36 =	vld [tilespmem:s22+$0x0];
	v27 =	vadd.f32 v28, v27  }
0x18e: {  	v28 =	vadd.f32 v30, v29;
	v29 =	vmul.f32 v37, v3;
	v30 =	vmul.f32 v34, v11;
	v34 =	vld [tilespmem:s17+$0x6000]  }
0x18f: {  	v37 =	vld [tilespmem:s17+$0x2000];
	v27 =	vadd.f32 v32, v27;
	s17 =	smov.u32 s20  }
0x190: {  	v31 =	vmul.f32 v31, v10;
	v28 =	vadd.f32 v29, v28;
	v29 =	vmul.f32 v33, v2  }
0x191: {  	v26 =	vld.idx.msk [tilespmem:v26+s15+$0x0], $0xffff;
	v27 =	vadd.f32 v30, v27  }
0x192: {  	v30 =	vmul.f32 v35, v9;
	v28 =	vadd.f32 v29, v28;
	v29 =	vmul.f32 v36, v1  }
0x193: {  	v27 =	vadd.f32 v31, v27  }
0x194: {  	v31 =	vmul.f32 v34, v8;
	v28 =	vadd.f32 v29, v28;
	v29 =	vmul.f32 v37, v0  }
0x195: {  	v27 =	vadd.f32 v30, v27  }
0x196: {  	s6 =	sand.u32 $0xE00, s26;
	s26 =	smov.u32 s2;
	v28 =	vadd.f32 v29, v28  }
0x197: {  	s6 =	sor.u32 s31, s6;
	s31 =	smov.u32 s1;
	v26 =	vand.u32 $0x7FFFFFFF, v26;
	v27 =	vadd.f32 v31, v27  }
0x198: {  	[tilespmem:s6+$0x11C00] =	vst v26;
	v26 =	vand.u32 $0x7FFFFFFF, v28  }
0x199: {  	[tilespmem:s6+$0x11C80] =	vst v26;
	v26 =	vand.u32 $0x7FFFFFFF, v27  }
0x19a: {  	[tilespmem:s6+$0x11D00] =	vst v26  }
0x19b: {  	v26 =	vld [tilespmem:s17+$0x2080]  }
0x19c: {  	v27 =	vld [tilespmem:s17+$0x2100];
	_ =	sdelay $0x1  }
0x19d: {  	v28 =	vld [tilespmem:s17+$0x2180];
	_ =	sdelay $0x1  }
0x19e: {  	v26 =	vmul.f32 v26, v24;
	v29 =	vld [tilespmem:s17+$0x2200]  }
0x19f: {  	v27 =	vmul.f32 v27, v23  }
0x1a0: {  	v26 =	vadd.f32 v26, v25;
	v30 =	vld [tilespmem:s17+$0x2280]  }
0x1a1: {  	v28 =	vmul.f32 v28, v22  }
0x1a2: {  	v26 =	vadd.f32 v27, v26;
	v27 =	vld [tilespmem:s17+$0x2300]  }
0x1a3: {  	v29 =	vmul.f32 v29, v21  }
0x1a4: {  	v26 =	vadd.f32 v28, v26;
	v28 =	vld [tilespmem:s17+$0x2380]  }
0x1a5: {  	v31 =	vld [tilespmem:s17+$0x0];
	v32 =	vmul.f32 v30, v19  }
0x1a6: {  	v26 =	vadd.f32 v29, v26;
	v33 =	vld [tilespmem:s17+$0x4000]  }
0x1a7: {  	v34 =	vmul.f32 v27, v18;
	v35 =	vld [tilespmem:s17+$0x4080]  }
.Ltmp4:
0x1a8: {  	v30 =	vld [tilespmem:s17+$0x80];
	v26 =	vadd.f32 v32, v26;
	(pc) =	sbr.rel @p1 .LBB2_6-.Ltmp4, $4  }
0x1a9: {  	v36 =	vmul.f32 v28, v17;
	v27 =	vld [tilespmem:s17+$0x4100]  }
0x1aa: {  	v28 =	vtrunc.f32 v31;
	v29 =	vld [tilespmem:s17+$0x100];
	v34 =	vadd.f32 v34, v26  }
0x1ab: {  	s30 =	sadd.s32 $0x80, s30;
	s1 =	sand.u32 $0x70, s18;
	v26 =	vcvt.f32.s32 v28;
	v32 =	vmul.f32 v33, v16;
	v28 =	vld [tilespmem:s17+$0x4180]  }
0x1ac: {  	s22 =	smov.u32 s16;
	s20 =	sand.u32 $0x1C00, s30;
	s6 =	sor.u32 s30, s18;
	v31 =	vld [tilespmem:s17+$0x180];
	v34 =	vadd.f32 v36, v34;
	v33 =	vmul.f32 v35, v15  }
0x1ad: {  	v30 =	vmul.f32 v30, v7  }
0x1ae: {  	v35 =	vld [tilespmem:s17+$0x200];
	v32 =	vadd.f32 v32, v34  }
0x1af: {  	v40 =	vld [tilespmem:s17+$0x4200];
	v30 =	vadd.f32 v30, v20;
	v29 =	vmul.f32 v29, v6  }
0x1b0: {  	v36 =	vld [tilespmem:s17+$0x280];
	v27 =	vmul.f32 v27, v14;
	v32 =	vadd.f32 v33, v32  }
0x1b1: {  	v41 =	vld [tilespmem:s17+$0x4280];
	v29 =	vadd.f32 v29, v30;
	v30 =	vmul.f32 v31, v5  }
0x1b2: {  	v28 =	vmul.f32 v28, v13;
	v31 =	vld [tilespmem:s17+$0x300];
	v27 =	vadd.f32 v27, v32  }
0x1b3: {  	v42 =	vld [tilespmem:s17+$0x4300];
	s16 =	sor.u32 $0x380, s28;
	v29 =	vadd.f32 v30, v29;
	v30 =	vmul.f32 v35, v4  }
0x1b4: {  	v43 =	vld [tilespmem:s16+$0x0];
	v34 =	vmul.f32 v40, v12;
	v27 =	vadd.f32 v28, v27  }
0x1b5: {  	v28 =	vld [tilespmem:s17+$0x4380];
	v29 =	vadd.f32 v30, v29;
	v30 =	vmul.f32 v36, v3  }
0x1b6: {  	v44 =	vld [tilespmem:s17+$0x2000];
	v33 =	vmul.f32 v41, v11;
	v27 =	vadd.f32 v34, v27  }
0x1b7: {  	v45 =	vld [tilespmem:s17+$0x6000];
	v29 =	vadd.f32 v30, v29;
	v30 =	vmul.f32 v31, v2  }
0x1b8: {  	v31 =	vmul.f32 v42, v10;
	v27 =	vadd.f32 v33, v27  }
0x1b9: {  	v26 =	vld.idx.msk [tilespmem:v26+s15+$0x0], $0xffff;
	v29 =	vadd.f32 v30, v29;
	v30 =	vmul.f32 v43, v1  }
0x1ba: {  	v28 =	vmul.f32 v28, v9;
	v27 =	vadd.f32 v31, v27  }
0x1bb: {  	v29 =	vadd.f32 v30, v29;
	v30 =	vmul.f32 v44, v0  }
0x1bc: {  	v31 =	vmul.f32 v45, v8;
	v27 =	vadd.f32 v28, v27  }
0x1bd: {  	s26 =	sand.u32 $0xE00, s26;
	v28 =	vadd.f32 v30, v29  }
0x1be: {  	s16 =	sor.u32 s31, s26;
	v26 =	vand.u32 $0x7FFFFFFF, v26;
	v27 =	vadd.f32 v31, v27  }
0x1bf: {  	[tilespmem:s16+$0x11C00] =	vst v26;
	v26 =	vand.u32 $0x7FFFFFFF, v28  }
0x1c0: {  	[tilespmem:s16+$0x11C80] =	vst v26;
	v26 =	vand.u32 $0x7FFFFFFF, v27  }
0x1c1: {  	s18 =	sor.u32 s1, s20;
	[tilespmem:s16+$0x11D00] =	vst v26  }
0x1c2: {  	v26 =	vld [tilespmem:s18+$0x2080];
	_ =	sdelay $0x1  }
0x1c3: {  	v27 =	vld [tilespmem:s18+$0x2100];
	_ =	sdelay $0x1  }
0x1c4: {  	v28 =	vld [tilespmem:s18+$0x2180]  }
0x1c5: {  	v26 =	vmul.f32 v26, v24  }
0x1c6: {  	v29 =	vld [tilespmem:s18+$0x2200]  }
0x1c7: {  	v27 =	vmul.f32 v27, v23;
	v26 =	vadd.f32 v26, v25  }
0x1c8: {  	v30 =	vld [tilespmem:s18+$0x2280]  }
0x1c9: {  	v28 =	vmul.f32 v28, v22;
	v26 =	vadd.f32 v27, v26  }
0x1ca: {  	v27 =	vld [tilespmem:s18+$0x2300]  }
0x1cb: {  	v29 =	vmul.f32 v29, v21;
	v26 =	vadd.f32 v28, v26  }
0x1cc: {  	v28 =	vld [tilespmem:s18+$0x2380]  }
0x1cd: {  	v31 =	vld [tilespmem:s18+$0x0];
	v30 =	vmul.f32 v30, v19;
	v26 =	vadd.f32 v29, v26  }
0x1ce: {  	v29 =	vld [tilespmem:s18+$0x4000]  }
0x1cf: {  	v46 =	vld [tilespmem:s18+$0x80];
	v27 =	vmul.f32 v27, v18;
	v26 =	vadd.f32 v30, v26  }
0x1d0: {  	v30 =	vld [tilespmem:s18+$0x4080]  }
0x1d1: {  	v47 =	vld [tilespmem:s18+$0x100];
	v28 =	vmul.f32 v28, v17;
	v26 =	vadd.f32 v27, v26  }
0x1d2: {  	v27 =	vld [tilespmem:s18+$0x4100]  }
0x1d3: {  	v48 =	vld [tilespmem:s18+$0x180];
	v29 =	vmul.f32 v29, v16;
	v26 =	vadd.f32 v28, v26  }
0x1d4: {  	v32 =	vmul.f32 v46, v7;
	v28 =	vld [tilespmem:s18+$0x4180]  }
0x1d5: {  	v49 =	vld [tilespmem:s18+$0x200];
	v30 =	vmul.f32 v30, v15;
	v26 =	vadd.f32 v29, v26  }
0x1d6: {  	v33 =	vmul.f32 v47, v6;
	v32 =	vadd.f32 v32, v20;
	v29 =	vld [tilespmem:s18+$0x4200]  }
0x1d7: {  	v50 =	vld [tilespmem:s18+$0x280];
	v27 =	vmul.f32 v27, v14;
	v26 =	vadd.f32 v30, v26  }
0x1d8: {  	v51 =	vmul.f32 v48, v5;
	v32 =	vadd.f32 v33, v32;
	v30 =	vld [tilespmem:s18+$0x4280]  }
0x1d9: {  	v52 =	vld [tilespmem:s18+$0x300];
	v31 =	vtrunc.f32 v31;
	v28 =	vmul.f32 v28, v13;
	v26 =	vadd.f32 v27, v26  }
0x1da: {  	s6 =	sor.u32 $0x380, s6;
	v53 =	vmul.f32 v49, v4;
	v32 =	vadd.f32 v51, v32;
	v27 =	vcvt.f32.s32 v31;
	v31 =	vld [tilespmem:s18+$0x4300]  }
0x1db: {  	v54 =	vld [tilespmem:s6+$0x0];
	v29 =	vmul.f32 v29, v12;
	v26 =	vadd.f32 v28, v26  }
0x1dc: {  	v55 =	vmul.f32 v50, v3;
	v32 =	vadd.f32 v53, v32;
	v28 =	vld [tilespmem:s18+$0x4380]  }
0x1dd: {  	v56 =	vld [tilespmem:s18+$0x2000];
	v30 =	vmul.f32 v30, v11;
	v26 =	vadd.f32 v29, v26  }
0x1de: {  	v57 =	vmul.f32 v52, v2;
	v32 =	vadd.f32 v55, v32;
	v29 =	vld [tilespmem:s18+$0x6000]  }
0x1df: {  	v31 =	vmul.f32 v31, v10;
	v26 =	vadd.f32 v30, v26  }
0x1e0: {  	v58 =	vmul.f32 v54, v1;
	v27 =	vld.idx.msk [tilespmem:v27+s15+$0x0], $0xffff;
	v30 =	vadd.f32 v57, v32  }
0x1e1: {  	v28 =	vmul.f32 v28, v9;
	v26 =	vadd.f32 v31, v26  }
0x1e2: {  	v30 =	vadd.f32 v58, v30;
	v31 =	vmul.f32 v56, v0  }
0x1e3: {  	s2 =	sadd.s32 $0x40, s2;
	v29 =	vmul.f32 v29, v8;
	v26 =	vadd.f32 v28, v26  }
0x1e4: {  	s2 =	sand.u32 $0xE00, s2;
	v28 =	vadd.f32 v31, v30  }
0x1e5: {  	s20 =	sor.u32 s1, s2;
	v27 =	vand.u32 $0x7FFFFFFF, v27;
	v26 =	vadd.f32 v29, v26  }
0x1e6: {  	[tilespmem:s20+$0x11C00] =	vst v27;
	v27 =	vand.u32 $0x7FFFFFFF, v28  }
0x1e7: {  	[tilespmem:s20+$0x11C80] =	vst v27;
	v26 =	vand.u32 $0x7FFFFFFF, v26  }
0x1e8: {  	[tilespmem:s20+$0x11D00] =	vst v26  }
0x1e9: {  	s2 =	simm.s32 $0x0;
	_ =	swait.ge [sflag:s29], $0x6000  }
0x1ea: {  	s31 =	sand.u32 $0x70, s2;
	s22 =	sand.u32 $0x1C00, s2;
	[sflag:s29] =	ssyncset.done $0x0  }
0x1eb: {  	s17 =	sor.u32 s31, s22;
	[sflag:s29] =	ssyncadd.s32 $0xFFFFA000  }
0x1ec: {  	v26 =	vld [tilespmem:s17+$0xA080];
	_ =	sdelay $0x1  }
0x1ed: {  	v27 =	vld [tilespmem:s17+$0xA100];
	_ =	sdelay $0x1  }
0x1ee: {  	v28 =	vld [tilespmem:s17+$0xA180]  }
0x1ef: {  	v26 =	vmul.f32 v26, v24  }
0x1f0: {  	v29 =	vld [tilespmem:s17+$0xA200]  }
0x1f1: {  	v27 =	vmul.f32 v27, v23;
	v26 =	vadd.f32 v26, v25  }
0x1f2: {  	v30 =	vld [tilespmem:s17+$0xA280]  }
0x1f3: {  	v28 =	vmul.f32 v28, v22;
	v26 =	vadd.f32 v27, v26  }
0x1f4: {  	v27 =	vld [tilespmem:s17+$0xA300]  }
0x1f5: {  	v31 =	vld [tilespmem:s17+$0x8000];
	v29 =	vmul.f32 v29, v21;
	v26 =	vadd.f32 v28, v26  }
0x1f6: {  	v28 =	vld [tilespmem:s17+$0xA380]  }
0x1f7: {  	v60 =	vld [tilespmem:s17+$0xC000];
	v59 =	vmul.f32 v30, v19;
	v26 =	vadd.f32 v29, v26  }
0x1f8: {  	v61 =	vld [tilespmem:s17+$0xC080]  }
0x1f9: {  	v30 =	vld [tilespmem:s17+$0x8080];
	v62 =	vmul.f32 v27, v18;
	v26 =	vadd.f32 v59, v26  }
0x1fa: {  	v29 =	vld [tilespmem:s17+$0x8100]  }
0x1fb: {  	s30 =	simm.s32 $0x80;
	s26 =	simm.s32 $0x10;
	v27 =	vld [tilespmem:s17+$0xC100];
	v63 =	vmul.f32 v28, v17;
	v34 =	vadd.f32 v62, v26  }
0x1fc: {  	s1 =	sand.u32 $0x70, s26;
	s28 =	sor.u32 s2, s2;
	s22 =	simm.s32 $0x20;
	v32 =	vmul.f32 v60, v16;
	v28 =	vtrunc.f32 v31;
	v31 =	vld [tilespmem:s17+$0x8180]  }
0x1fd: {  	s6 =	sor.u32 s30, s26;
	s26 =	simm.s32 $0x0;
	s20 =	sand.u32 $0x1C00, s30;
	v33 =	vmul.f32 v61, v15;
	v26 =	vcvt.f32.s32 v28;
	v28 =	vld [tilespmem:s17+$0xC180];
	v34 =	vadd.f32 v63, v34  }
.LBB2_8:
0x1fe: {  	s20 =	sor.u32 s1, s20  }
0x1ff: {  	v30 =	vmul.f32 v30, v7;
	v35 =	vld [tilespmem:s17+$0xC200];
	s2 =	sadd.s32 $0x40, s2;
	s18 =	smov.u32 s22;
	s16 =	sadd.s32 $0x10, s22  }
0x200: {  	p1 =	sne.s32 s22, $0x2F0;
	v36 =	vld [tilespmem:s17+$0x8200];
	v32 =	vadd.f32 v32, v34  }
0x201: {  	v27 =	vmul.f32 v27, v14;
	v30 =	vadd.f32 v30, v20;
	v29 =	vmul.f32 v29, v6;
	v34 =	vld [tilespmem:s17+$0xC280]  }
0x202: {  	v37 =	vld [tilespmem:s17+$0x8280];
	v32 =	vadd.f32 v33, v32  }
0x203: {  	v28 =	vmul.f32 v28, v13;
	v29 =	vadd.f32 v29, v30;
	v30 =	vmul.f32 v31, v5;
	v31 =	vld [tilespmem:s17+$0xC300]  }
0x204: {  	v33 =	vld [tilespmem:s17+$0x8300];
	v27 =	vadd.f32 v27, v32  }
0x205: {  	s22 =	sor.u32 $0x380, s28;
	s28 =	smov.u32 s6;
	v32 =	vmul.f32 v35, v12;
	v29 =	vadd.f32 v30, v29;
	v30 =	vmul.f32 v36, v4;
	v35 =	vld [tilespmem:s17+$0xC380]  }
0x206: {  	v36 =	vld [tilespmem:s22+$0x8000];
	v27 =	vadd.f32 v28, v27  }
0x207: {  	v28 =	vadd.f32 v30, v29;
	v29 =	vmul.f32 v37, v3;
	v30 =	vmul.f32 v34, v11;
	v34 =	vld [tilespmem:s17+$0xE000]  }
0x208: {  	v37 =	vld [tilespmem:s17+$0xA000];
	v27 =	vadd.f32 v32, v27;
	s17 =	smov.u32 s20  }
0x209: {  	v31 =	vmul.f32 v31, v10;
	v28 =	vadd.f32 v29, v28;
	v29 =	vmul.f32 v33, v2  }
0x20a: {  	v26 =	vld.idx.msk [tilespmem:v26+s15+$0x0], $0xffff;
	v27 =	vadd.f32 v30, v27  }
0x20b: {  	v30 =	vmul.f32 v35, v9;
	v28 =	vadd.f32 v29, v28;
	v29 =	vmul.f32 v36, v1  }
0x20c: {  	v27 =	vadd.f32 v31, v27  }
0x20d: {  	v31 =	vmul.f32 v34, v8;
	v28 =	vadd.f32 v29, v28;
	v29 =	vmul.f32 v37, v0  }
0x20e: {  	v27 =	vadd.f32 v30, v27  }
0x20f: {  	s6 =	sand.u32 $0xE00, s26;
	s26 =	smov.u32 s2;
	v28 =	vadd.f32 v29, v28  }
0x210: {  	s6 =	sor.u32 s31, s6;
	s31 =	smov.u32 s1;
	v26 =	vand.u32 $0x7FFFFFFF, v26;
	v27 =	vadd.f32 v31, v27  }
0x211: {  	[tilespmem:s6+$0x12800] =	vst v26;
	v26 =	vand.u32 $0x7FFFFFFF, v28  }
0x212: {  	[tilespmem:s6+$0x12880] =	vst v26;
	v26 =	vand.u32 $0x7FFFFFFF, v27  }
0x213: {  	[tilespmem:s6+$0x12900] =	vst v26  }
0x214: {  	v26 =	vld [tilespmem:s17+$0xA080]  }
0x215: {  	v27 =	vld [tilespmem:s17+$0xA100];
	_ =	sdelay $0x1  }
0x216: {  	v28 =	vld [tilespmem:s17+$0xA180];
	_ =	sdelay $0x1  }
0x217: {  	v26 =	vmul.f32 v26, v24;
	v29 =	vld [tilespmem:s17+$0xA200]  }
0x218: {  	v27 =	vmul.f32 v27, v23  }
0x219: {  	v26 =	vadd.f32 v26, v25;
	v30 =	vld [tilespmem:s17+$0xA280]  }
0x21a: {  	v28 =	vmul.f32 v28, v22  }
0x21b: {  	v26 =	vadd.f32 v27, v26;
	v27 =	vld [tilespmem:s17+$0xA300]  }
0x21c: {  	v29 =	vmul.f32 v29, v21  }
0x21d: {  	v26 =	vadd.f32 v28, v26;
	v28 =	vld [tilespmem:s17+$0xA380]  }
0x21e: {  	v31 =	vld [tilespmem:s17+$0x8000];
	v32 =	vmul.f32 v30, v19  }
0x21f: {  	v26 =	vadd.f32 v29, v26;
	v33 =	vld [tilespmem:s17+$0xC000]  }
0x220: {  	v34 =	vmul.f32 v27, v18;
	v35 =	vld [tilespmem:s17+$0xC080]  }
.Ltmp5:
0x221: {  	v30 =	vld [tilespmem:s17+$0x8080];
	v26 =	vadd.f32 v32, v26;
	(pc) =	sbr.rel @p1 .LBB2_8-.Ltmp5, $4  }
0x222: {  	v36 =	vmul.f32 v28, v17;
	v27 =	vld [tilespmem:s17+$0xC100]  }
0x223: {  	v28 =	vtrunc.f32 v31;
	v29 =	vld [tilespmem:s17+$0x8100];
	v34 =	vadd.f32 v34, v26  }
0x224: {  	s30 =	sadd.s32 $0x80, s30;
	s1 =	sand.u32 $0x70, s18;
	v26 =	vcvt.f32.s32 v28;
	v32 =	vmul.f32 v33, v16;
	v28 =	vld [tilespmem:s17+$0xC180]  }
0x225: {  	s22 =	smov.u32 s16;
	s20 =	sand.u32 $0x1C00, s30;
	s6 =	sor.u32 s30, s18;
	v31 =	vld [tilespmem:s17+$0x8180];
	v34 =	vadd.f32 v36, v34;
	v33 =	vmul.f32 v35, v15  }
0x226: {  	v30 =	vmul.f32 v30, v7  }
0x227: {  	v35 =	vld [tilespmem:s17+$0x8200];
	v32 =	vadd.f32 v32, v34  }
0x228: {  	v42 =	vld [tilespmem:s17+$0xC200];
	v30 =	vadd.f32 v30, v20;
	v29 =	vmul.f32 v29, v6  }
0x229: {  	v36 =	vld [tilespmem:s17+$0x8280];
	v27 =	vmul.f32 v27, v14;
	v32 =	vadd.f32 v33, v32  }
0x22a: {  	v43 =	vld [tilespmem:s17+$0xC280];
	v29 =	vadd.f32 v29, v30;
	v44 =	vmul.f32 v31, v5  }
0x22b: {  	v45 =	vld [tilespmem:s17+$0x8300];
	v28 =	vmul.f32 v28, v13;
	v27 =	vadd.f32 v27, v32  }
0x22c: {  	v46 =	vld [tilespmem:s17+$0xC300];
	s16 =	sor.u32 $0x380, s28;
	v47 =	vmul.f32 v35, v4;
	v29 =	vadd.f32 v44, v29  }
0x22d: {  	v48 =	vld [tilespmem:s16+$0x8000];
	v34 =	vmul.f32 v42, v12;
	v27 =	vadd.f32 v28, v27  }
0x22e: {  	v49 =	vld [tilespmem:s17+$0xC380];
	v50 =	vmul.f32 v36, v3;
	v29 =	vadd.f32 v47, v29  }
0x22f: {  	v51 =	vld [tilespmem:s17+$0xA000];
	v33 =	vmul.f32 v43, v11;
	v27 =	vadd.f32 v34, v27  }
0x230: {  	v52 =	vld [tilespmem:s17+$0xE000];
	v53 =	vmul.f32 v45, v2;
	v29 =	vadd.f32 v50, v29  }
0x231: {  	v54 =	vmul.f32 v46, v10;
	v27 =	vadd.f32 v33, v27  }
0x232: {  	v26 =	vld.idx.msk [tilespmem:v26+s15+$0x0], $0xffff;
	v55 =	vmul.f32 v48, v1;
	v29 =	vadd.f32 v53, v29  }
0x233: {  	v28 =	vmul.f32 v49, v9;
	v27 =	vadd.f32 v54, v27  }
0x234: {  	v56 =	vmul.f32 v51, v0;
	v29 =	vadd.f32 v55, v29  }
0x235: {  	v57 =	vmul.f32 v52, v8;
	v27 =	vadd.f32 v28, v27  }
0x236: {  	s18 =	sand.u32 $0xE00, s26;
	v58 =	vadd.f32 v56, v29  }
0x237: {  	s22 =	sor.u32 s31, s18;
	v26 =	vand.u32 $0x7FFFFFFF, v26;
	v27 =	vadd.f32 v57, v27  }
0x238: {  	[tilespmem:s22+$0x12800] =	vst v26;
	v26 =	vand.u32 $0x7FFFFFFF, v58  }
0x239: {  	[tilespmem:s22+$0x12880] =	vst v26;
	v26 =	vand.u32 $0x7FFFFFFF, v27  }
0x23a: {  	s26 =	sor.u32 s1, s20;
	[tilespmem:s22+$0x12900] =	vst v26  }
0x23b: {  	v26 =	vld [tilespmem:s26+$0xA080];
	_ =	sdelay $0x1  }
0x23c: {  	v27 =	vld [tilespmem:s26+$0xA100];
	_ =	sdelay $0x1  }
0x23d: {  	v59 =	vld [tilespmem:s26+$0xA180]  }
0x23e: {  	v26 =	vmul.f32 v26, v24  }
0x23f: {  	v60 =	vld [tilespmem:s26+$0xA200]  }
0x240: {  	v27 =	vmul.f32 v27, v23;
	v26 =	vadd.f32 v26, v25  }
0x241: {  	v61 =	vld [tilespmem:s26+$0xA280]  }
0x242: {  	v28 =	vmul.f32 v59, v22;
	v26 =	vadd.f32 v27, v26  }
0x243: {  	v27 =	vld [tilespmem:s26+$0xA300]  }
0x244: {  	v29 =	vmul.f32 v60, v21;
	v26 =	vadd.f32 v28, v26  }
0x245: {  	v62 =	vld [tilespmem:s26+$0xA380]  }
0x246: {  	v63 =	vld [tilespmem:s26+$0x8000];
	v30 =	vmul.f32 v61, v19;
	v26 =	vadd.f32 v29, v26  }
0x247: {  	v40 =	vld [tilespmem:s26+$0xC000]  }
0x248: {  	v41 =	vld [tilespmem:s26+$0x8080];
	v27 =	vmul.f32 v27, v18;
	v26 =	vadd.f32 v30, v26  }
0x249: {  	v42 =	vld [tilespmem:s26+$0xC080]  }
0x24a: {  	v43 =	vld [tilespmem:s26+$0x8100];
	v28 =	vmul.f32 v62, v17;
	v26 =	vadd.f32 v27, v26  }
0x24b: {  	v27 =	vld [tilespmem:s26+$0xC100]  }
0x24c: {  	v44 =	vld [tilespmem:s26+$0x8180];
	v29 =	vmul.f32 v40, v16;
	v26 =	vadd.f32 v28, v26  }
0x24d: {  	v45 =	vld [tilespmem:s26+$0xC180];
	v32 =	vmul.f32 v41, v7  }
0x24e: {  	v46 =	vld [tilespmem:s26+$0x8200];
	v30 =	vmul.f32 v42, v15;
	v26 =	vadd.f32 v29, v26  }
0x24f: {  	v47 =	vld [tilespmem:s26+$0xC200];
	v33 =	vmul.f32 v43, v6;
	v32 =	vadd.f32 v32, v20  }
0x250: {  	v48 =	vld [tilespmem:s26+$0x8280];
	v27 =	vmul.f32 v27, v14;
	v26 =	vadd.f32 v30, v26  }
0x251: {  	v49 =	vld [tilespmem:s26+$0xC280];
	v50 =	vmul.f32 v44, v5;
	v32 =	vadd.f32 v33, v32  }
0x252: {  	v51 =	vld [tilespmem:s26+$0x8300];
	v31 =	vtrunc.f32 v63;
	v28 =	vmul.f32 v45, v13;
	v26 =	vadd.f32 v27, v26  }
0x253: {  	s6 =	sor.u32 $0x380, s6;
	v52 =	vld [tilespmem:s26+$0xC300];
	v53 =	vmul.f32 v46, v4;
	v32 =	vadd.f32 v50, v32;
	v27 =	vcvt.f32.s32 v31  }
0x254: {  	v54 =	vld [tilespmem:s6+$0x8000];
	v29 =	vmul.f32 v47, v12;
	v26 =	vadd.f32 v28, v26  }
0x255: {  	v55 =	vld [tilespmem:s26+$0xC380];
	v56 =	vmul.f32 v48, v3;
	v32 =	vadd.f32 v53, v32  }
0x256: {  	v57 =	vld [tilespmem:s26+$0xA000];
	v30 =	vmul.f32 v49, v11;
	v26 =	vadd.f32 v29, v26  }
0x257: {  	v58 =	vld [tilespmem:s26+$0xE000];
	v59 =	vmul.f32 v51, v2;
	v32 =	vadd.f32 v56, v32  }
0x258: {  	v31 =	vmul.f32 v52, v10;
	v26 =	vadd.f32 v30, v26  }
0x259: {  	v61 =	vmul.f32 v54, v1;
	v60 =	vadd.f32 v59, v32;
	v27 =	vld.idx.msk [tilespmem:v27+s15+$0x0], $0xffff  }
0x25a: {  	v28 =	vmul.f32 v55, v9;
	v26 =	vadd.f32 v31, v26  }
0x25b: {  	v62 =	vmul.f32 v57, v0;
	v30 =	vadd.f32 v61, v60  }
0x25c: {  	s2 =	sadd.s32 $0x40, s2;
	v29 =	vmul.f32 v58, v8;
	v26 =	vadd.f32 v28, v26  }
0x25d: {  	s2 =	sand.u32 $0xE00, s2;
	v63 =	vadd.f32 v62, v30  }
0x25e: {  	s30 =	sor.u32 s1, s2;
	v27 =	vand.u32 $0x7FFFFFFF, v27;
	v26 =	vadd.f32 v29, v26  }
0x25f: {  	[tilespmem:s30+$0x12800] =	vst v27;
	v27 =	vand.u32 $0x7FFFFFFF, v63  }
0x260: {  	[tilespmem:s30+$0x12880] =	vst v27;
	v26 =	vand.u32 $0x7FFFFFFF, v26  }
.Ltmp6:
0x261: {  	s31 =	simm.s32 $0x10000;
	[tilespmem:s30+$0x12900] =	vst v26;
	(pc) =	sbr.rel @p0 .LBB2_13-.Ltmp6, $4  }
0x262: {  	[hbm4b:s11+s3] =	stream.linear.scatter [tilespmem:s31], [sflag:$0x3], $0x3400, $0x38;
	[tilespmem:$0x14A80] =	vst v63  }
0x263: {  	_ =	swait.ge [sflag:s14], $0x3400  }
0x264: {  	[sflag:s14] =	ssyncset.done $0x0  }
0x265: {  	s28 =	simm.s32 $0x2000;
	[sflag:s14] =	ssyncadd.s32 $0xFFFFCC00  }
0x266: {  	s1 =	simm.s32 $0x0;
	s2 =	rddreg [dreg:$0x1];
	s6 =	simm.s32 $0x13400  }
0x267: {  	[tilespmem:s6], [sflag:$0x3] =	stream.linear.gather [hbm4b:s2+s1], $0xC80, $0x38;
	[tilespmem:$0x14A80] =	vst v63  }
0x268: {  	_ =	swait.ge [sflag:s14], $0xC80  }
0x269: {  	[sflag:s14] =	ssyncset.done $0x0  }
0x26a: {  	s2 =	simm.s32 $0x0;
	[sflag:s14] =	ssyncadd.s32 $0xFFFFF380  }
0x26b: {  	v26 =	vld [tilespmem:s2+$0x13880];
	_ =	sdelay $0x1  }
0x26c: {  	v27 =	vld [tilespmem:s2+$0x13900];
	_ =	sdelay $0x1  }
0x26d: {  	v28 =	vld [tilespmem:s2+$0x13980]  }
0x26e: {  	v26 =	vmul.f32 v26, v24  }
0x26f: {  	v29 =	vld [tilespmem:s2+$0x13A00]  }
0x270: {  	v31 =	vld [tilespmem:s2+$0x13780];
	v27 =	vmul.f32 v27, v23;
	v26 =	vadd.f32 v26, v25  }
0x271: {  	v30 =	vld [tilespmem:s2+$0x13A80]  }
0x272: {  	v33 =	vld [tilespmem:s2+$0x13F80];
	v26 =	vadd.f32 v27, v26;
	v27 =	vmul.f32 v28, v22  }
0x273: {  	v28 =	vld [tilespmem:s2+$0x13B00]  }
0x274: {  	v34 =	vld [tilespmem:s2+$0x13700];
	v26 =	vadd.f32 v27, v26;
	v27 =	vmul.f32 v29, v21  }
0x275: {  	v29 =	vld [tilespmem:s2+$0x13B80]  }
0x276: {  	v38 =	vld [tilespmem:s2+$0x13F00];
	v26 =	vadd.f32 v27, v26;
	v27 =	vmul.f32 v30, v19  }
0x277: {  	v30 =	vld [tilespmem:s2+$0x13C00]  }
0x278: {  	v32 =	vld [tilespmem:s2+$0x13480];
	v26 =	vadd.f32 v27, v26;
	v27 =	vmul.f32 v28, v18  }
0x279: {  	v28 =	vld [tilespmem:s2+$0x13C80]  }
0x27a: {  	v35 =	vld [tilespmem:s2+$0x13500];
	v26 =	vadd.f32 v27, v26;
	v27 =	vmul.f32 v29, v17  }
0x27b: {  	v29 =	vld [tilespmem:s2+$0x13D00]  }
0x27c: {  	v36 =	vld [tilespmem:s2+$0x13580];
	v26 =	vadd.f32 v27, v26;
	v27 =	vmul.f32 v30, v16  }
0x27d: {  	v61 =	vld [tilespmem:s2+$0x13D80];
	v30 =	vmul.f32 v32, v7  }
0x27e: {  	v37 =	vld [tilespmem:s2+$0x13600];
	v26 =	vadd.f32 v27, v26;
	v27 =	vmul.f32 v28, v15  }
0x27f: {  	v62 =	vld [tilespmem:s2+$0x13E00];
	v28 =	vadd.f32 v30, v20;
	v30 =	vmul.f32 v35, v6  }
0x280: {  	v39 =	vld [tilespmem:s2+$0x13680];
	v29 =	vmul.f32 v29, v14;
	v26 =	vadd.f32 v27, v26  }
0x281: {  	s1 =	simm.s32 $0x10;
	v63 =	vld [tilespmem:s2+$0x13E80];
	v28 =	vadd.f32 v30, v28;
	v30 =	vmul.f32 v36, v5  }
0x282: {  	v40 =	vld [tilespmem:s1+$0x13880];
	v32 =	vmul.f32 v61, v13;
	v26 =	vadd.f32 v29, v26  }
0x283: {  	v27 =	vld [tilespmem:s2+$0x13400];
	v28 =	vadd.f32 v30, v28;
	v30 =	vmul.f32 v37, v4  }
0x284: {  	v35 =	vmul.f32 v62, v12;
	v29 =	vld [tilespmem:s1+$0x13900];
	v26 =	vadd.f32 v32, v26  }
0x285: {  	v39 =	vmul.f32 v39, v3;
	v37 =	vadd.f32 v30, v28;
	v30 =	vld [tilespmem:s2+$0x13800]  }
0x286: {  	v42 =	vmul.f32 v63, v11;
	v32 =	vmul.f32 v31, v1;
	v31 =	vld [tilespmem:s2+$0x14000];
	v41 =	vadd.f32 v35, v26  }
0x287: {  	v33 =	vmul.f32 v33, v9;
	v36 =	vmul.f32 v34, v2;
	v28 =	vld [tilespmem:s1+$0x13980];
	v35 =	vadd.f32 v39, v37  }
0x288: {  	s6 =	simm.s32 $0x80;
	v38 =	vmul.f32 v38, v10;
	v34 =	vmul.f32 v40, v24;
	v26 =	vld [tilespmem:s1+$0x13780];
	v37 =	vadd.f32 v42, v41  }
.LBB2_11:
0x289: {  	p1 =	sne.s32 s6, $0x1C0;
	v29 =	vmul.f32 v29, v23;
	v39 =	vld [tilespmem:s1+$0x13A00];
	v27 =	vtrunc.f32 v27;
	v35 =	vadd.f32 v36, v35  }
0x28a: {  	v34 =	vadd.f32 v34, v25;
	v36 =	vadd.f32 v38, v37;
	v40 =	vld [tilespmem:s1+$0x13F80];
	v27 =	vcvt.f32.s32 v27  }
0x28b: {  	v30 =	vmul.f32 v30, v0;
	v31 =	vmul.f32 v31, v8;
	v37 =	vld [tilespmem:s1+$0x13A80];
	v32 =	vadd.f32 v32, v35  }
0x28c: {  	v28 =	vmul.f32 v28, v22;
	v29 =	vadd.f32 v29, v34;
	v33 =	vadd.f32 v33, v36;
	v38 =	vld [tilespmem:s1+$0x13700]  }
0x28d: {  	v34 =	vld [tilespmem:s1+$0x13B00];
	v30 =	vadd.f32 v30, v32  }
0x28e: {  	v28 =	vadd.f32 v28, v29;
	v31 =	vadd.f32 v31, v33;
	v29 =	vmul.f32 v39, v21;
	v39 =	vld [tilespmem:s1+$0x13F00]  }
0x28f: {  	v32 =	vld [tilespmem:s1+$0x13B80];
	v30 =	vand.u32 $0x7FFFFFFF, v30  }
0x290: {  	v28 =	vadd.f32 v29, v28;
	v29 =	vmul.f32 v37, v19;
	v27 =	vld.idx.msk [tilespmem:v27+s15+$0x0], $0xffff;
	[tilespmem:s2+$0x14480] =	vst v30;
	v30 =	vand.u32 $0x7FFFFFFF, v31  }
0x291: {  	v31 =	vld [tilespmem:s1+$0x13C00];
	[tilespmem:s2+$0x14500] =	vst v30  }
0x292: {  	v30 =	vld [tilespmem:s1+$0x13480];
	v28 =	vadd.f32 v29, v28;
	v29 =	vmul.f32 v34, v18  }
0x293: {  	v33 =	vld [tilespmem:s1+$0x13C80]  }
0x294: {  	v34 =	vld [tilespmem:s1+$0x13500];
	v28 =	vadd.f32 v29, v28;
	v29 =	vmul.f32 v32, v17  }
0x295: {  	v32 =	vld [tilespmem:s1+$0x13D00]  }
0x296: {  	v27 =	vand.u32 $0x7FFFFFFF, v27;
	v35 =	vld [tilespmem:s1+$0x13580];
	v28 =	vadd.f32 v29, v28;
	v29 =	vmul.f32 v31, v16  }
0x297: {  	v30 =	vmul.f32 v30, v7;
	v31 =	vld [tilespmem:s1+$0x13D80];
	[tilespmem:s2+$0x14400] =	vst v27;
	s2 =	smov.u32 s1  }
0x298: {  	v36 =	vld [tilespmem:s2+$0x13600];
	v27 =	vadd.f32 v29, v28;
	v28 =	vmul.f32 v33, v15  }
0x299: {  	v29 =	vadd.f32 v30, v20;
	v30 =	vmul.f32 v34, v6;
	v33 =	vld [tilespmem:s2+$0x13E00]  }
0x29a: {  	v34 =	vld [tilespmem:s2+$0x13680];
	v28 =	vadd.f32 v28, v27;
	v32 =	vmul.f32 v32, v14  }
0x29b: {  	v29 =	vadd.f32 v30, v29;
	v30 =	vmul.f32 v35, v5;
	v35 =	vld [tilespmem:s2+$0x13E80]  }
0x29c: {  	s1 =	sshra.s32 s6, $0x2;
	v27 =	vld [tilespmem:s2+$0x13400];
	v28 =	vadd.f32 v32, v28;
	v31 =	vmul.f32 v31, v13  }
0x29d: {  	v37 =	vld [tilespmem:s1+$0x13880];
	v30 =	vadd.f32 v30, v29;
	v32 =	vmul.f32 v36, v4  }
.Ltmp7:
0x29e: {  	v29 =	vld [tilespmem:s1+$0x13900];
	v28 =	vadd.f32 v31, v28;
	v31 =	vmul.f32 v33, v12;
	(pc) =	sbr.rel @p1 .LBB2_11-.Ltmp7, $4  }
0x29f: {  	v33 =	vadd.f32 v32, v30;
	v34 =	vmul.f32 v34, v3;
	v30 =	vld [tilespmem:s2+$0x13800]  }
0x2a0: {  	v32 =	vmul.f32 v26, v1;
	v41 =	vadd.f32 v31, v28;
	v42 =	vmul.f32 v35, v11;
	v31 =	vld [tilespmem:s2+$0x14000]  }
0x2a1: {  	v36 =	vmul.f32 v38, v2;
	v28 =	vld [tilespmem:s1+$0x13980];
	v35 =	vadd.f32 v34, v33;
	v33 =	vmul.f32 v40, v9  }
0x2a2: {  	s6 =	sadd.s32 $0x40, s6;
	v38 =	vmul.f32 v39, v10;
	v26 =	vld [tilespmem:s1+$0x13780];
	v34 =	vmul.f32 v37, v24;
	v37 =	vadd.f32 v42, v41  }
.Ltmp8:
0x2a3: {  	_ = 	snop;
	(pc) =	sbr.rel .LBB2_12-.Ltmp8, $1  }
0x2a4: {  	_ =	sdelay $0x3  }
.LBB2_14:
0x2a5: {  	_ =	sfence.sel $0x180000  }
0x2a6: {  	[bflag:$0x0] =	sbarrier.arrive $0xFFFF  }
0x2a7: {  	_ =	strace $0x90000047  }
0x2a8: {  	s0 =	stileid.u32;
	[bflag:$0x2] =	sbarrier.arrive $0xFFFF  }
0x2a9: {  	p0 =	sne.s32 s0, $0x0;
	s0 =	rddreg [dreg:$0x3]  }
0x2aa: {  	s0 =	sadd.s32 @!p0 $0x100000, s0  }
0x2ab: {  	[sflag:s0] =	ssyncadd.tile.s32 @!p0 $0x1;
	_ =	shalt  }
.Lfunc_end2:
_tile_overlayer_lowered:
.L_overlay_start_2:
0x2ac: {  	(tag) =	ssettag $0x2  }
0x2ad: {  	s0 =	rddreg [dreg:$0x0];
	s2 =	stileid.u32  }
0x2ae: {  	s1 =	rddreg [dreg:$0x1];
	p0 =	sne.s32 s2, $0x0  }
0x2af: {  	s3 =	rddreg [dreg:$0x2];
	[bflag:$0x3] =	sbarrier.arrive $0xFFFF;
	s2 =	simm.s32 @!p0 $0x1C03  }
0x2b0: {  	[timem:s3], [sflag:s2] =	dma.local @!p0 [hbm:s0], s1  }
0x2b1: {  	s0 =	simm.s32 @!p0 $0x3  }
0x2b2: {  	_ =	swait.ge @!p0 [sflag:s0], s1  }
0x2b3: {  	s1 =	ssub.s32 @!p0 $0x0, s1;
	[sflag:s0] =	ssyncset.done @!p0 $0x0  }
0x2b4: {  	[sflag:s0] =	ssyncadd.s32 @!p0 s1  }
0x2b5: {  	[bflag:$0x3] =	sbarrier.arrive $0xFFFF  }
0x2b6: {  	_ =	shalt  }

</sc_bundles>
